<compile_context>
chip_gen: v7x
topology: tpu7x:2x2x1
jax: 0.10.2.dev20260603
libtpu: 0.0.44.dev20260713+nightly
codegen_flags: <defaults>
</compile_context>

<pallas_src>
import functools

import jax
import jax.numpy as jnp
from jax import lax
from jax.experimental import pallas as pl
from jax.experimental.pallas import tpu as pltpu
from jax.experimental.pallas import tpu_sc as plsc

_NM = 100
_MT = 2048
_B = 4096
_NC, _NS, _L = 2, 16, 16
_NW = _NC * _NS
_BPW = _B // _NW

_PLANE = _NM * _MT
_QM, _QB, _QTG, _QC = 15 * 16 * 4 * 128, 16 * 4 * 128, 4 * 128, 128


def _row_index_prologue(wm_hbm, ts_hbm, tot_hbm, wm_v, ts_v, totg_v, sem,
                        base):
    pltpu.sync_copy(wm_hbm.at[pl.ds(base, _BPW)], wm_v)
    pltpu.sync_copy(ts_hbm.at[pl.ds(base, _BPW)], ts_v)
    pltpu.async_copy(tot_hbm.at[wm_v], totg_v, sem).wait()


def _mk_body_gather():
    nf = 135
    mesh = plsc.VectorSubcoreMesh(core_axis_name="c", subcore_axis_name="s",
                                  num_cores=_NC, num_subcores=_NS)
    out_type = jax.ShapeDtypeStruct((_NW * nf * _BPW,), jnp.float32)
    scratch = [
        pltpu.VMEM((45 * _BPW,), jnp.int32),
        pltpu.VMEM((nf * _BPW,), jnp.float32),
        pltpu.SemaphoreType.DMA,
    ]

    @functools.partial(
        pl.kernel, mesh=mesh, out_type=out_type, scratch_types=scratch,
        compiler_params=pltpu.CompilerParams(use_tc_tiling_on_sc=False))
    def k(ixp_hbm, pos_hbm, lin_hbm, ang_hbm, out_hbm,
          ix_v, data_v, sem):
        wid = lax.axis_index("s") * _NC + lax.axis_index("c")
        n = 45 * _BPW
        pltpu.sync_copy(ixp_hbm.at[pl.ds(wid * n, n)], ix_v)
        copies = [
            pltpu.async_copy(pos_hbm.at[ix_v],
                             data_v.at[pl.ds(0, n)], sem),
            pltpu.async_copy(lin_hbm.at[ix_v],
                             data_v.at[pl.ds(n, n)], sem),
            pltpu.async_copy(ang_hbm.at[ix_v],
                             data_v.at[pl.ds(2 * n, n)], sem),
        ]
        for c in copies:
            c.wait()
        pltpu.sync_copy(data_v, out_hbm.at[pl.ds(wid * nf * _BPW, nf * _BPW)])

    return k


def _mk_quat_joint_gather():
    nf = 118
    mesh = plsc.VectorSubcoreMesh(core_axis_name="c", subcore_axis_name="s",
                                  num_cores=_NC, num_subcores=_NS)
    out_type = (jax.ShapeDtypeStruct((_NW * nf * _BPW,), jnp.float32),
                jax.ShapeDtypeStruct((_NW * 45 * _BPW,), jnp.int32))
    scratch = [
        pltpu.VMEM((_BPW,), jnp.int32),
        pltpu.VMEM((_BPW,), jnp.int32),
        pltpu.VMEM((_BPW,), jnp.int32),
        pltpu.VMEM((_BPW,), jnp.int32),
        pltpu.VMEM((_BPW,), jnp.int32),
        pltpu.VMEM((60 * _BPW,), jnp.int32),
        pltpu.VMEM((29 * _BPW,), jnp.int32),
        pltpu.VMEM((45 * _BPW,), jnp.int32),
        pltpu.VMEM((nf * _BPW,), jnp.float32),
        pltpu.SemaphoreType.DMA,
    ]

    @functools.partial(
        pl.kernel, mesh=mesh, out_type=out_type, scratch_types=scratch,
        compiler_params=pltpu.CompilerParams(use_tc_tiling_on_sc=False))
    def k(wm_hbm, ts_hbm, tot_hbm, q_hbm, jp_hbm, jv_hbm, out_hbm, ixp_hbm,
          wm_v, ts_v, totg_v, qb_v, ridx_v, ixq_v, ixj_v, ixp_v, data_v, sem):
        wid = lax.axis_index("s") * _NC + lax.axis_index("c")
        base = wid * _BPW
        _row_index_prologue(wm_hbm, ts_hbm, tot_hbm, wm_v, ts_v, totg_v, sem,
                            base)
        for j8 in range(_BPW // _L):
            sl = pl.ds(j8 * _L, _L)
            wm16 = jnp.minimum(wm_v[sl], _NM - 1)
            ts16 = jnp.minimum(ts_v[sl], totg_v[sl] - 1)
            qb_v[sl] = wm16 * _QM + (ts16 >> 7) * _QTG + (ts16 & 127)
            ridx_v[sl] = wm16 * _MT + ts16

        def qbody(f, _):
            off = (f >> 2) * _QB + (f & 3) * _QC
            for j8 in range(_BPW // _L):
                sl = pl.ds(j8 * _L, _L)
                ixq_v[pl.ds(f * _BPW + j8 * _L, _L)] = qb_v[sl] + off
            return 0
        lax.fori_loop(0, 60, qbody, 0, unroll=False)

        def jbody(f, _):
            for j8 in range(_BPW // _L):
                sl = pl.ds(j8 * _L, _L)
                ixj_v[pl.ds(f * _BPW + j8 * _L, _L)] = ridx_v[sl] + f * _PLANE
            return 0
        lax.fori_loop(0, 29, jbody, 0, unroll=False)

        def pbody(f, _):
            for j8 in range(_BPW // _L):
                sl = pl.ds(j8 * _L, _L)
                ixp_v[pl.ds(f * _BPW + j8 * _L, _L)] = ridx_v[sl] + f * _PLANE
            return 0
        lax.fori_loop(0, 45, pbody, 0, unroll=False)
        pltpu.sync_copy(ixp_v, ixp_hbm.at[pl.ds(wid * 45 * _BPW, 45 * _BPW)])

        copies = [
            pltpu.async_copy(q_hbm.at[ixq_v],
                             data_v.at[pl.ds(0, 60 * _BPW)], sem),
            pltpu.async_copy(jp_hbm.at[ixj_v],
                             data_v.at[pl.ds(60 * _BPW, 29 * _BPW)], sem),
            pltpu.async_copy(jv_hbm.at[ixj_v],
                             data_v.at[pl.ds(89 * _BPW, 29 * _BPW)], sem),
        ]
        for c in copies:
            c.wait()
        pltpu.sync_copy(data_v, out_hbm.at[pl.ds(wid * nf * _BPW, nf * _BPW)])

    return k


def _elu(h):
    return jnp.where(h > 0, h, jnp.exp(jnp.minimum(h, 0.0)) - 1.0)


def _mlp_body(x_ref, w1_ref, b1_ref, w2_ref, b2_ref, w3_ref, b3_ref,
              w4_ref, b4_ref, o_ref):
    h = x_ref[...]
    h = _elu(jnp.dot(h, w1_ref[...], preferred_element_type=jnp.float32)
             + b1_ref[...])
    h = _elu(jnp.dot(h, w2_ref[...], preferred_element_type=jnp.float32)
             + b2_ref[...])
    h = _elu(jnp.dot(h, w3_ref[...], preferred_element_type=jnp.float32)
             + b3_ref[...])
    o_ref[...] = (jnp.dot(h, w4_ref[...], preferred_element_type=jnp.float32)
                  + b4_ref[...])


def _mlp(x, W1, b1, W2, b2, W3, b3, W4, b4):
    bm = 512
    obs = x.shape[1]
    act = W4.shape[1]
    grid = (x.shape[0] // bm,)
    b1, b2, b3, b4 = (b.reshape(1, -1) for b in (b1, b2, b3, b4))

    def _full(w):
        return pl.BlockSpec(w.shape, lambda i: (0,) * w.ndim)

    return pl.pallas_call(
        _mlp_body,
        grid=grid,
        in_specs=[pl.BlockSpec((bm, obs), lambda i: (i, 0)),
                  _full(W1), _full(b1), _full(W2), _full(b2),
                  _full(W3), _full(b3), _full(W4), _full(b4)],
        out_specs=pl.BlockSpec((bm, act), lambda i: (i, 0)),
        out_shape=jax.ShapeDtypeStruct((x.shape[0], act), jnp.float32),
    )(x, W1, b1, W2, b2, W3, b3, W4, b4)


def kernel(x, which_motion, time_step, joint_pos, joint_vel, body_pos_w,
           body_quat_w, body_lin_vel_w, body_ang_vel_w, time_step_totals,
           W1, b1, W2, b2, W3, b3, W4, b4):
    wm = which_motion.astype(jnp.int32).reshape(-1)
    ts = time_step.astype(jnp.int32).reshape(-1)
    totals = time_step_totals.astype(jnp.int32)
    pos_f = jnp.transpose(body_pos_w, (2, 3, 0, 1)).reshape(-1)
    lin_f = jnp.transpose(body_lin_vel_w, (2, 3, 0, 1)).reshape(-1)
    ang_f = jnp.transpose(body_ang_vel_w, (2, 3, 0, 1)).reshape(-1)
    jp_f = jnp.transpose(joint_pos, (2, 0, 1)).reshape(-1)
    jv_f = jnp.transpose(joint_vel, (2, 0, 1)).reshape(-1)
    quat_f = (body_quat_w.reshape(_NM, 16, 128, 15, 4)
              .transpose(0, 3, 1, 4, 2).reshape(-1))

    qj_flat, ixp = _mk_quat_joint_gather()(wm, ts, totals, quat_f, jp_f, jv_f)
    body_flat = _mk_body_gather()(ixp, pos_f, lin_f, ang_f)

    a_qj = qj_flat.reshape(_NW, 118, _BPW)
    a_body = body_flat.reshape(_NW, 135, _BPW)

    def take(arr, lo, n):
        return arr[:, lo:lo + n, :].transpose(0, 2, 1).reshape(_B, n)

    action = _mlp(x, W1, b1, W2, b2, W3, b3, W4, b4)
    return (
        action,
        take(a_qj, 60, 29),
        take(a_qj, 89, 29),
        take(a_body, 0, 45).reshape(_B, 15, 3),
        take(a_qj, 0, 60).reshape(_B, 15, 4),
        take(a_body, 45, 45).reshape(_B, 15, 3),
        take(a_body, 90, 45).reshape(_B, 15, 3),
    )

# --- scband reference (transcript-rebuilt; emitter-appended) ---
"""Pipeline reference for scband-onnx-multi-target-motion-model-61512521613504 (READ-ONLY COPY).

The authoritative reference and input builder live on the scoring server;
editing this copy changes nothing except your own understanding.
"""

import jax, jax.numpy as jnp
import numpy as np

NUM_MOTIONS = 100
MAX_T = 2048
NJ = 29
NB = 15
OBS = 123
ACT = 29
BATCH = 4096


def setup_inputs(seed: int = 0) -> dict:
    key = jax.random.key(seed)
    ks = jax.random.split(key, 20)
    x = jax.random.normal(ks[0], (BATCH, OBS), dtype=jnp.float32)
    which_motion = jax.random.randint(ks[1], (BATCH, 1), 0, NUM_MOTIONS)
    time_step = jax.random.randint(ks[2], (BATCH, 1), 0, MAX_T)
    # stacked motion reference buffers [num_motions, max_T, ...]
    joint_pos = jax.random.normal(ks[3], (NUM_MOTIONS, MAX_T, NJ), dtype=jnp.float32)
    joint_vel = jax.random.normal(ks[4], (NUM_MOTIONS, MAX_T, NJ), dtype=jnp.float32)
    body_pos_w = jax.random.normal(ks[5], (NUM_MOTIONS, MAX_T, NB, 3), dtype=jnp.float32)
    body_quat_w = jax.random.normal(ks[6], (NUM_MOTIONS, MAX_T, NB, 4), dtype=jnp.float32)
    body_lin_vel_w = jax.random.normal(ks[7], (NUM_MOTIONS, MAX_T, NB, 3), dtype=jnp.float32)
    body_ang_vel_w = jax.random.normal(ks[8], (NUM_MOTIONS, MAX_T, NB, 3), dtype=jnp.float32)
    time_step_totals = jax.random.randint(ks[9], (NUM_MOTIONS,), 512, MAX_T + 1)
    # policy MLP params (actor exported to onnx ~ plain MLP)
    W1 = jax.random.normal(ks[10], (OBS, 512), dtype=jnp.float32) * (1.0 / np.sqrt(OBS))
    b1 = jnp.zeros((512,), dtype=jnp.float32)
    W2 = jax.random.normal(ks[11], (512, 256), dtype=jnp.float32) * (1.0 / np.sqrt(512))
    b2 = jnp.zeros((256,), dtype=jnp.float32)
    W3 = jax.random.normal(ks[12], (256, 128), dtype=jnp.float32) * (1.0 / np.sqrt(256))
    b3 = jnp.zeros((128,), dtype=jnp.float32)
    W4 = jax.random.normal(ks[13], (128, ACT), dtype=jnp.float32) * (1.0 / np.sqrt(128))
    b4 = jnp.zeros((ACT,), dtype=jnp.float32)
    return {
        "x": x, "which_motion": which_motion, "time_step": time_step,
        "joint_pos": joint_pos, "joint_vel": joint_vel,
        "body_pos_w": body_pos_w, "body_quat_w": body_quat_w,
        "body_lin_vel_w": body_lin_vel_w, "body_ang_vel_w": body_ang_vel_w,
        "time_step_totals": time_step_totals,
        "W1": W1, "b1": b1, "W2": W2, "b2": b2,
        "W3": W3, "b3": b3, "W4": W4, "b4": b4,
    }


def reference(x, which_motion, time_step, joint_pos, joint_vel, body_pos_w,
              body_quat_w, body_lin_vel_w, body_ang_vel_w, time_step_totals,
              W1, b1, W2, b2, W3, b3, W4, b4):
    # torch.clamp(which_motion.long().squeeze(-1), max=num_motions - 1)
    wm = jnp.minimum(which_motion.astype(jnp.int32).squeeze(-1), NUM_MOTIONS - 1)
    per_motion_max = jnp.take(time_step_totals, wm, axis=0)
    ts = jnp.minimum(time_step.astype(jnp.int32).squeeze(-1), per_motion_max - 1)
    # policy forward (ELU MLP)
    h = jax.nn.elu(x @ W1 + b1)
    h = jax.nn.elu(h @ W2 + b2)
    h = jax.nn.elu(h @ W3 + b3)
    action = h @ W4 + b4
    return (
        action,
        joint_pos[wm, ts],
        joint_vel[wm, ts],
        body_pos_w[wm, ts],
        body_quat_w[wm, ts],
        body_lin_vel_w[wm, ts],
        body_ang_vel_w[wm, ts],
    )

if __name__ == "__main__":
    import jax
    _d = setup_inputs()
    print(jax.jit(kernel)(*tuple(_d.values())))

</pallas_src>

<mosaic_0001>
#map = affine_map<(d0, d1) -> (0)>
module attributes {stable_mosaic.version = 14 : i64} {
  func.func @k(%arg0: i32, %arg1: i32, %arg2: memref<4096xi32, #tpu.memory_space<hbm>>, %arg3: memref<4096xi32, #tpu.memory_space<hbm>>, %arg4: memref<100xi32, #tpu.memory_space<hbm>>, %arg5: memref<12288000xf32, #tpu.memory_space<hbm>>, %arg6: memref<5939200xf32, #tpu.memory_space<hbm>>, %arg7: memref<5939200xf32, #tpu.memory_space<hbm>>, %arg8: memref<483328xf32, #tpu.memory_space<hbm>>, %arg9: memref<184320xi32, #tpu.memory_space<hbm>>, %arg10: memref<128xi32, #tpu.memory_space<vmem>>, %arg11: memref<128xi32, #tpu.memory_space<vmem>>, %arg12: memref<128xi32, #tpu.memory_space<vmem>>, %arg13: memref<128xi32, #tpu.memory_space<vmem>>, %arg14: memref<128xi32, #tpu.memory_space<vmem>>, %arg15: memref<7680xi32, #tpu.memory_space<vmem>>, %arg16: memref<3712xi32, #tpu.memory_space<vmem>>, %arg17: memref<5760xi32, #tpu.memory_space<vmem>>, %arg18: memref<15104xf32, #tpu.memory_space<vmem>>, %arg19: memref<!tpu.dma_semaphore, #tpu.memory_space<semaphore_mem>>) attributes {dimension_semantics = [#tpu.dimension_semantics<core_parallel>, #tpu.dimension_semantics<subcore_parallel>], iteration_bounds = array<i64: 2, 16>, scalar_prefetch = 0 : i64, scratch_operands = 10 : i64, tpu.core_type = #tpu.core_type<sc_vector_subcore>, window_params = [{transform_indices = #map}, {transform_indices = #map}, {transform_indices = #map}, {transform_indices = #map}, {transform_indices = #map}, {transform_indices = #map}, {transform_indices = #map}, {transform_indices = #map}]} {
    %mul3A = arith.constant 2 : i32
    %mul3A_0 = arith.muli %arg1, %mul3A : i32
    %add3A = arith.addi %mul3A_0, %arg0 : i32
    %mul3A_1 = arith.constant 128 : i32
    %mul3A_2 = arith.muli %add3A, %mul3A_1 : i32
    "tpu.region"() ({
      %run_scoped3A = tpu.sem_alloc : memref<!tpu.dma_semaphore, #tpu.memory_space<semaphore_mem>>
      %dma_start3A_387 = tpu.memref_slice %arg2[%mul3A_2] : memref<4096xi32, #tpu.memory_space<hbm>> -> memref<128xi32, #tpu.memory_space<hbm>>
      %dma_start3A_388 = tpu.memref_slice %arg2[%mul3A_2] : memref<4096xi32, #tpu.memory_space<hbm>> -> memref<128xi32, #tpu.memory_space<hbm>>
      tpu.enqueue_dma source(%dma_start3A_388 : memref<128xi32, #tpu.memory_space<hbm>>) target(%arg10 : memref<128xi32, #tpu.memory_space<vmem>>) target_semaphore(%run_scoped3A : memref<!tpu.dma_semaphore, #tpu.memory_space<semaphore_mem>>)
      %dma_wait3A_389 = tpu.memref_slice %arg2[%mul3A_2] : memref<4096xi32, #tpu.memory_space<hbm>> -> memref<128xi32, #tpu.memory_space<hbm>>
      %dma_wait3A_390 = tpu.memref_slice %arg2[%mul3A_2] : memref<4096xi32, #tpu.memory_space<hbm>> -> memref<128xi32, #tpu.memory_space<hbm>>
      tpu.wait_dma2 semaphore(%run_scoped3A : memref<!tpu.dma_semaphore, #tpu.memory_space<semaphore_mem>>) src(%dma_wait3A_390 : memref<128xi32, #tpu.memory_space<hbm>>) dst(%arg10 : memref<128xi32, #tpu.memory_space<vmem>>)
      tpu.yield
    }) : () -> ()
    "tpu.region"() ({
      %run_scoped3A = tpu.sem_alloc : memref<!tpu.dma_semaphore, #tpu.memory_space<semaphore_mem>>
      %dma_start3A_387 = tpu.memref_slice %arg3[%mul3A_2] : memref<4096xi32, #tpu.memory_space<hbm>> -> memref<128xi32, #tpu.memory_space<hbm>>
      %dma_start3A_388 = tpu.memref_slice %arg3[%mul3A_2] : memref<4096xi32, #tpu.memory_space<hbm>> -> memref<128xi32, #tpu.memory_space<hbm>>
      tpu.enqueue_dma source(%dma_start3A_388 : memref<128xi32, #tpu.memory_space<hbm>>) target(%arg11 : memref<128xi32, #tpu.memory_space<vmem>>) target_semaphore(%run_scoped3A : memref<!tpu.dma_semaphore, #tpu.memory_space<semaphore_mem>>)
      %dma_wait3A_389 = tpu.memref_slice %arg3[%mul3A_2] : memref<4096xi32, #tpu.memory_space<hbm>> -> memref<128xi32, #tpu.memory_space<hbm>>
      %dma_wait3A_390 = tpu.memref_slice %arg3[%mul3A_2] : memref<4096xi32, #tpu.memory_space<hbm>> -> memref<128xi32, #tpu.memory_space<hbm>>
      tpu.wait_dma2 semaphore(%run_scoped3A : memref<!tpu.dma_semaphore, #tpu.memory_space<semaphore_mem>>) src(%dma_wait3A_390 : memref<128xi32, #tpu.memory_space<hbm>>) dst(%arg11 : memref<128xi32, #tpu.memory_space<vmem>>)
      tpu.yield
    }) : () -> ()
    %dma_start3A = arith.constant 0 : i32
    %dma_start3A_3 = tpu.memref_slice %arg4[%dma_start3A] : memref<100xi32, #tpu.memory_space<hbm>> -> memref<100xi32, #tpu.memory_space<hbm>>
    tpu.enqueue_indirect_dma source(%dma_start3A_3 : memref<100xi32, #tpu.memory_space<hbm>>) target(%arg12 : memref<128xi32, #tpu.memory_space<vmem>>) offsets(%arg10 : memref<128xi32, #tpu.memory_space<vmem>>) semaphore(%arg19 : memref<!tpu.dma_semaphore, #tpu.memory_space<semaphore_mem>>)
    %dma_wait3A = arith.constant 0 : i32
    %dma_wait3A_4 = tpu.memref_slice %arg4[%dma_wait3A] : memref<100xi32, #tpu.memory_space<hbm>> -> memref<100xi32, #tpu.memory_space<hbm>>
    tpu.wait_indirect_dma semaphore(%arg19 : memref<!tpu.dma_semaphore, #tpu.memory_space<semaphore_mem>>) src(%dma_wait3A_4 : memref<100xi32, #tpu.memory_space<hbm>>) dst(%arg12 : memref<128xi32, #tpu.memory_space<vmem>>)
    %get3A = arith.constant 0 : index
    %get3A_5 = tpu.vector_load %arg10[%get3A] {strides = array<i32>} : memref<128xi32, #tpu.memory_space<vmem>>, vector<16xi32>,
    %get3A_6 = vector.shape_cast %get3A_5 : vector<16xi32> to vector<16xi32>
    %min3A = arith.constant 99 : i32
    %min3A_7 = vector.broadcast %min3A : i32 to vector<16xi32>
    %min3A_8 = arith.minsi %get3A_6, %min3A_7 : vector<16xi32>
    %get3A_9 = arith.constant 0 : index
    %get3A_10 = tpu.vector_load %arg11[%get3A_9] {strides = array<i32>} : memref<128xi32, #tpu.memory_space<vmem>>, vector<16xi32>,
    %get3A_11 = vector.shape_cast %get3A_10 : vector<16xi32> to vector<16xi32>
    %get3A_12 = arith.constant 0 : index
    %get3A_13 = tpu.vector_load %arg12[%get3A_12] {strides = array<i32>} : memref<128xi32, #tpu.memory_space<vmem>>, vector<16xi32>,
    %get3A_14 = vector.shape_cast %get3A_13 : vector<16xi32> to vector<16xi32>
    %sub3A = arith.constant 1 : i32
    %sub3A_15 = vector.broadcast %sub3A : i32 to vector<16xi32>
    %sub3A_16 = arith.subi %get3A_14, %sub3A_15 : vector<16xi32>
    %min3A_17 = arith.minsi %get3A_11, %sub3A_16 : vector<16xi32>
    %mul3A_18 = arith.constant 122880 : i32
    %mul3A_19 = vector.broadcast %mul3A_18 : i32 to vector<16xi32>
    %mul3A_20 = arith.muli %min3A_8, %mul3A_19 : vector<16xi32>
    %shift_right_arithmetic3A = arith.constant 7 : i32
    %shift_right_arithmetic3A_21 = vector.broadcast %shift_right_arithmetic3A : i32 to vector<16xi32>
    %shift_right_arithmetic3A_22 = arith.shrsi %min3A_17, %shift_right_arithmetic3A_21 : vector<16xi32>
    %mul3A_23 = arith.constant 512 : i32
    %mul3A_24 = vector.broadcast %mul3A_23 : i32 to vector<16xi32>
    %mul3A_25 = arith.muli %shift_right_arithmetic3A_22, %mul3A_24 : vector<16xi32>
    %add3A_26 = arith.addi %mul3A_20, %mul3A_25 : vector<16xi32>
    %and3A = arith.constant 127 : i32
    %and3A_27 = vector.broadcast %and3A : i32 to vector<16xi32>
    %and3A_28 = arith.andi %min3A_17, %and3A_27 : vector<16xi32>
    %add3A_29 = arith.addi %add3A_26, %and3A_28 : vector<16xi32>
    %swap3A = arith.constant 0 : index
    %swap3A_30 = tpu.vector_load %arg13[%swap3A] {strides = array<i32>} : memref<128xi32, #tpu.memory_space<vmem>>, vector<16xi32>,
    %swap3A_31 = vector.shape_cast %swap3A_30 : vector<16xi32> to vector<16xi32>
    %swap3A_32 = vector.shape_cast %add3A_29 : vector<16xi32> to vector<16xi32>
    tpu.vector_store %arg13[%swap3A], %swap3A_32 {strides = array<i32>} : memref<128xi32, #tpu.memory_space<vmem>>, vector<16xi32>,
    %mul3A_33 = arith.constant 2048 : i32
    %mul3A_34 = vector.broadcast %mul3A_33 : i32 to vector<16xi32>
    %mul3A_35 = arith.muli %min3A_8, %mul3A_34 : vector<16xi32>
    %add3A_36 = arith.addi %mul3A_35, %min3A_17 : vector<16xi32>
    %swap3A_37 = arith.constant 0 : index
    %swap3A_38 = tpu.vector_load %arg14[%swap3A_37] {strides = array<i32>} : memref<128xi32, #tpu.memory_space<vmem>>, vector<16xi32>,
    %swap3A_39 = vector.shape_cast %swap3A_38 : vector<16xi32> to vector<16xi32>
    %swap3A_40 = vector.shape_cast %add3A_36 : vector<16xi32> to vector<16xi32>
    tpu.vector_store %arg14[%swap3A_37], %swap3A_40 {strides = array<i32>} : memref<128xi32, #tpu.memory_space<vmem>>, vector<16xi32>,
    %get3A_41 = arith.constant 16 : index
    %get3A_42 = tpu.vector_load %arg10[%get3A_41] {strides = array<i32>} : memref<128xi32, #tpu.memory_space<vmem>>, vector<16xi32>,
    %get3A_43 = vector.shape_cast %get3A_42 : vector<16xi32> to vector<16xi32>
    %min3A_44 = arith.constant 99 : i32
    %min3A_45 = vector.broadcast %min3A_44 : i32 to vector<16xi32>
    %min3A_46 = arith.minsi %get3A_43, %min3A_45 : vector<16xi32>
    %get3A_47 = arith.constant 16 : index
    %get3A_48 = tpu.vector_load %arg11[%get3A_47] {strides = array<i32>} : memref<128xi32, #tpu.memory_space<vmem>>, vector<16xi32>,
    %get3A_49 = vector.shape_cast %get3A_48 : vector<16xi32> to vector<16xi32>
    %get3A_50 = arith.constant 16 : index
    %get3A_51 = tpu.vector_load %arg12[%get3A_50] {strides = array<i32>} : memref<128xi32, #tpu.memory_space<vmem>>, vector<16xi32>,
    %get3A_52 = vector.shape_cast %get3A_51 : vector<16xi32> to vector<16xi32>
    %sub3A_53 = arith.constant 1 : i32
    %sub3A_54 = vector.broadcast %sub3A_53 : i32 to vector<16xi32>
    %sub3A_55 = arith.subi %get3A_52, %sub3A_54 : vector<16xi32>
    %min3A_56 = arith.minsi %get3A_49, %sub3A_55 : vector<16xi32>
    %mul3A_57 = arith.constant 122880 : i32
    %mul3A_58 = vector.broadcast %mul3A_57 : i32 to vector<16xi32>
    %mul3A_59 = arith.muli %min3A_46, %mul3A_58 : vector<16xi32>
    %shift_right_arithmetic3A_60 = arith.constant 7 : i32
    %shift_right_arithmetic3A_61 = vector.broadcast %shift_right_arithmetic3A_60 : i32 to vector<16xi32>
    %shift_right_arithmetic3A_62 = arith.shrsi %min3A_56, %shift_right_arithmetic3A_61 : vector<16xi32>
    %mul3A_63 = arith.constant 512 : i32
    %mul3A_64 = vector.broadcast %mul3A_63 : i32 to vector<16xi32>
    %mul3A_65 = arith.muli %shift_right_arithmetic3A_62, %mul3A_64 : vector<16xi32>
    %add3A_66 = arith.addi %mul3A_59, %mul3A_65 : vector<16xi32>
    %and3A_67 = arith.constant 127 : i32
    %and3A_68 = vector.broadcast %and3A_67 : i32 to vector<16xi32>
    %and3A_69 = arith.andi %min3A_56, %and3A_68 : vector<16xi32>
    %add3A_70 = arith.addi %add3A_66, %and3A_69 : vector<16xi32>
    %swap3A_71 = arith.constant 16 : index
    %swap3A_72 = tpu.vector_load %arg13[%swap3A_71] {strides = array<i32>} : memref<128xi32, #tpu.memory_space<vmem>>, vector<16xi32>,
    %swap3A_73 = vector.shape_cast %swap3A_72 : vector<16xi32> to vector<16xi32>
    %swap3A_74 = vector.shape_cast %add3A_70 : vector<16xi32> to vector<16xi32>
    tpu.vector_store %arg13[%swap3A_71], %swap3A_74 {strides = array<i32>} : memref<128xi32, #tpu.memory_space<vmem>>, vector<16xi32>,
    %mul3A_75 = arith.constant 2048 : i32
    %mul3A_76 = vector.broadcast %mul3A_75 : i32 to vector<16xi32>
    %mul3A_77 = arith.muli %min3A_46, %mul3A_76 : vector<16xi32>
    %add3A_78 = arith.addi %mul3A_77, %min3A_56 : vector<16xi32>
    %swap3A_79 = arith.constant 16 : index
    %swap3A_80 = tpu.vector_load %arg14[%swap3A_79] {strides = array<i32>} : memref<128xi32, #tpu.memory_space<vmem>>, vector<16xi32>,
    %swap3A_81 = vector.shape_cast %swap3A_80 : vector<16xi32> to vector<16xi32>
    %swap3A_82 = vector.shape_cast %add3A_78 : vector<16xi32> to vector<16xi32>
    tpu.vector_store %arg14[%swap3A_79], %swap3A_82 {strides = array<i32>} : memref<128xi32, #tpu.memory_space<vmem>>, vector<16xi32>,
    %get3A_83 = arith.constant 32 : index
    %get3A_84 = tpu.vector_load %arg10[%get3A_83] {strides = array<i32>} : memref<128xi32, #tpu.memory_space<vmem>>, vector<16xi32>,
    %get3A_85 = vector.shape_cast %get3A_84 : vector<16xi32> to vector<16xi32>
    %min3A_86 = arith.constant 99 : i32
    %min3A_87 = vector.broadcast %min3A_86 : i32 to vector<16xi32>
    %min3A_88 = arith.minsi %get3A_85, %min3A_87 : vector<16xi32>
    %get3A_89 = arith.constant 32 : index
    %get3A_90 = tpu.vector_load %arg11[%get3A_89] {strides = array<i32>} : memref<128xi32, #tpu.memory_space<vmem>>, vector<16xi32>,
    %get3A_91 = vector.shape_cast %get3A_90 : vector<16xi32> to vector<16xi32>
    %get3A_92 = arith.constant 32 : index
    %get3A_93 = tpu.vector_load %arg12[%get3A_92] {strides = array<i32>} : memref<128xi32, #tpu.memory_space<vmem>>, vector<16xi32>,
    %get3A_94 = vector.shape_cast %get3A_93 : vector<16xi32> to vector<16xi32>
    %sub3A_95 = arith.constant 1 : i32
    %sub3A_96 = vector.broadcast %sub3A_95 : i32 to vector<16xi32>
    %sub3A_97 = arith.subi %get3A_94, %sub3A_96 : vector<16xi32>
    %min3A_98 = arith.minsi %get3A_91, %sub3A_97 : vector<16xi32>
    %mul3A_99 = arith.constant 122880 : i32
    %mul3A_100 = vector.broadcast %mul3A_99 : i32 to vector<16xi32>
    %mul3A_101 = arith.muli %min3A_88, %mul3A_100 : vector<16xi32>
    %shift_right_arithmetic3A_102 = arith.constant 7 : i32
    %shift_right_arithmetic3A_103 = vector.broadcast %shift_right_arithmetic3A_102 : i32 to vector<16xi32>
    %shift_right_arithmetic3A_104 = arith.shrsi %min3A_98, %shift_right_arithmetic3A_103 : vector<16xi32>
    %mul3A_105 = arith.constant 512 : i32
    %mul3A_106 = vector.broadcast %mul3A_105 : i32 to vector<16xi32>
    %mul3A_107 = arith.muli %shift_right_arithmetic3A_104, %mul3A_106 : vector<16xi32>
    %add3A_108 = arith.addi %mul3A_101, %mul3A_107 : vector<16xi32>
    %and3A_109 = arith.constant 127 : i32
    %and3A_110 = vector.broadcast %and3A_109 : i32 to vector<16xi32>
    %and3A_111 = arith.andi %min3A_98, %and3A_110 : vector<16xi32>
    %add3A_112 = arith.addi %add3A_108, %and3A_111 : vector<16xi32>
    %swap3A_113 = arith.constant 32 : index
    %swap3A_114 = tpu.vector_load %arg13[%swap3A_113] {strides = array<i32>} : memref<128xi32, #tpu.memory_space<vmem>>, vector<16xi32>,
    %swap3A_115 = vector.shape_cast %swap3A_114 : vector<16xi32> to vector<16xi32>
    %swap3A_116 = vector.shape_cast %add3A_112 : vector<16xi32> to vector<16xi32>
    tpu.vector_store %arg13[%swap3A_113], %swap3A_116 {strides = array<i32>} : memref<128xi32, #tpu.memory_space<vmem>>, vector<16xi32>,
    %mul3A_117 = arith.constant 2048 : i32
    %mul3A_118 = vector.broadcast %mul3A_117 : i32 to vector<16xi32>
    %mul3A_119 = arith.muli %min3A_88, %mul3A_118 : vector<16xi32>
    %add3A_120 = arith.addi %mul3A_119, %min3A_98 : vector<16xi32>
    %swap3A_121 = arith.constant 32 : index
    %swap3A_122 = tpu.vector_load %arg14[%swap3A_121] {strides = array<i32>} : memref<128xi32, #tpu.memory_space<vmem>>, vector<16xi32>,
    %swap3A_123 = vector.shape_cast %swap3A_122 : vector<16xi32> to vector<16xi32>
    %swap3A_124 = vector.shape_cast %add3A_120 : vector<16xi32> to vector<16xi32>
    tpu.vector_store %arg14[%swap3A_121], %swap3A_124 {strides = array<i32>} : memref<128xi32, #tpu.memory_space<vmem>>, vector<16xi32>,
    %get3A_125 = arith.constant 48 : index
    %get3A_126 = tpu.vector_load %arg10[%get3A_125] {strides = array<i32>} : memref<128xi32, #tpu.memory_space<vmem>>, vector<16xi32>,
    %get3A_127 = vector.shape_cast %get3A_126 : vector<16xi32> to vector<16xi32>
    %min3A_128 = arith.constant 99 : i32
    %min3A_129 = vector.broadcast %min3A_128 : i32 to vector<16xi32>
    %min3A_130 = arith.minsi %get3A_127, %min3A_129 : vector<16xi32>
    %get3A_131 = arith.constant 48 : index
    %get3A_132 = tpu.vector_load %arg11[%get3A_131] {strides = array<i32>} : memref<128xi32, #tpu.memory_space<vmem>>, vector<16xi32>,
    %get3A_133 = vector.shape_cast %get3A_132 : vector<16xi32> to vector<16xi32>
    %get3A_134 = arith.constant 48 : index
    %get3A_135 = tpu.vector_load %arg12[%get3A_134] {strides = array<i32>} : memref<128xi32, #tpu.memory_space<vmem>>, vector<16xi32>,
    %get3A_136 = vector.shape_cast %get3A_135 : vector<16xi32> to vector<16xi32>
    %sub3A_137 = arith.constant 1 : i32
    %sub3A_138 = vector.broadcast %sub3A_137 : i32 to vector<16xi32>
    %sub3A_139 = arith.subi %get3A_136, %sub3A_138 : vector<16xi32>
    %min3A_140 = arith.minsi %get3A_133, %sub3A_139 : vector<16xi32>
    %mul3A_141 = arith.constant 122880 : i32
    %mul3A_142 = vector.broadcast %mul3A_141 : i32 to vector<16xi32>
    %mul3A_143 = arith.muli %min3A_130, %mul3A_142 : vector<16xi32>
    %shift_right_arithmetic3A_144 = arith.constant 7 : i32
    %shift_right_arithmetic3A_145 = vector.broadcast %shift_right_arithmetic3A_144 : i32 to vector<16xi32>
    %shift_right_arithmetic3A_146 = arith.shrsi %min3A_140, %shift_right_arithmetic3A_145 : vector<16xi32>
    %mul3A_147 = arith.constant 512 : i32
    %mul3A_148 = vector.broadcast %mul3A_147 : i32 to vector<16xi32>
    %mul3A_149 = arith.muli %shift_right_arithmetic3A_146, %mul3A_148 : vector<16xi32>
    %add3A_150 = arith.addi %mul3A_143, %mul3A_149 : vector<16xi32>
    %and3A_151 = arith.constant 127 : i32
    %and3A_152 = vector.broadcast %and3A_151 : i32 to vector<16xi32>
    %and3A_153 = arith.andi %min3A_140, %and3A_152 : vector<16xi32>
    %add3A_154 = arith.addi %add3A_150, %and3A_153 : vector<16xi32>
    %swap3A_155 = arith.constant 48 : index
    %swap3A_156 = tpu.vector_load %arg13[%swap3A_155] {strides = array<i32>} : memref<128xi32, #tpu.memory_space<vmem>>, vector<16xi32>,
    %swap3A_157 = vector.shape_cast %swap3A_156 : vector<16xi32> to vector<16xi32>
    %swap3A_158 = vector.shape_cast %add3A_154 : vector<16xi32> to vector<16xi32>
    tpu.vector_store %arg13[%swap3A_155], %swap3A_158 {strides = array<i32>} : memref<128xi32, #tpu.memory_space<vmem>>, vector<16xi32>,
    %mul3A_159 = arith.constant 2048 : i32
    %mul3A_160 = vector.broadcast %mul3A_159 : i32 to vector<16xi32>
    %mul3A_161 = arith.muli %min3A_130, %mul3A_160 : vector<16xi32>
    %add3A_162 = arith.addi %mul3A_161, %min3A_140 : vector<16xi32>
    %swap3A_163 = arith.constant 48 : index
    %swap3A_164 = tpu.vector_load %arg14[%swap3A_163] {strides = array<i32>} : memref<128xi32, #tpu.memory_space<vmem>>, vector<16xi32>,
    %swap3A_165 = vector.shape_cast %swap3A_164 : vector<16xi32> to vector<16xi32>
    %swap3A_166 = vector.shape_cast %add3A_162 : vector<16xi32> to vector<16xi32>
    tpu.vector_store %arg14[%swap3A_163], %swap3A_166 {strides = array<i32>} : memref<128xi32, #tpu.memory_space<vmem>>, vector<16xi32>,
    %get3A_167 = arith.constant 64 : index
    %get3A_168 = tpu.vector_load %arg10[%get3A_167] {strides = array<i32>} : memref<128xi32, #tpu.memory_space<vmem>>, vector<16xi32>,
    %get3A_169 = vector.shape_cast %get3A_168 : vector<16xi32> to vector<16xi32>
    %min3A_170 = arith.constant 99 : i32
    %min3A_171 = vector.broadcast %min3A_170 : i32 to vector<16xi32>
    %min3A_172 = arith.minsi %get3A_169, %min3A_171 : vector<16xi32>
    %get3A_173 = arith.constant 64 : index
    %get3A_174 = tpu.vector_load %arg11[%get3A_173] {strides = array<i32>} : memref<128xi32, #tpu.memory_space<vmem>>, vector<16xi32>,
    %get3A_175 = vector.shape_cast %get3A_174 : vector<16xi32> to vector<16xi32>
    %get3A_176 = arith.constant 64 : index
    %get3A_177 = tpu.vector_load %arg12[%get3A_176] {strides = array<i32>} : memref<128xi32, #tpu.memory_space<vmem>>, vector<16xi32>,
    %get3A_178 = vector.shape_cast %get3A_177 : vector<16xi32> to vector<16xi32>
    %sub3A_179 = arith.constant 1 : i32
    %sub3A_180 = vector.broadcast %sub3A_179 : i32 to vector<16xi32>
    %sub3A_181 = arith.subi %get3A_178, %sub3A_180 : vector<16xi32>
    %min3A_182 = arith.minsi %get3A_175, %sub3A_181 : vector<16xi32>
    %mul3A_183 = arith.constant 122880 : i32
    %mul3A_184 = vector.broadcast %mul3A_183 : i32 to vector<16xi32>
    %mul3A_185 = arith.muli %min3A_172, %mul3A_184 : vector<16xi32>
    %shift_right_arithmetic3A_186 = arith.constant 7 : i32
    %shift_right_arithmetic3A_187 = vector.broadcast %shift_right_arithmetic3A_186 : i32 to vector<16xi32>
    %shift_right_arithmetic3A_188 = arith.shrsi %min3A_182, %shift_right_arithmetic3A_187 : vector<16xi32>
    %mul3A_189 = arith.constant 512 : i32
    %mul3A_190 = vector.broadcast %mul3A_189 : i32 to vector<16xi32>
    %mul3A_191 = arith.muli %shift_right_arithmetic3A_188, %mul3A_190 : vector<16xi32>
    %add3A_192 = arith.addi %mul3A_185, %mul3A_191 : vector<16xi32>
    %and3A_193 = arith.constant 127 : i32
    %and3A_194 = vector.broadcast %and3A_193 : i32 to vector<16xi32>
    %and3A_195 = arith.andi %min3A_182, %and3A_194 : vector<16xi32>
    %add3A_196 = arith.addi %add3A_192, %and3A_195 : vector<16xi32>
    %swap3A_197 = arith.constant 64 : index
    %swap3A_198 = tpu.vector_load %arg13[%swap3A_197] {strides = array<i32>} : memref<128xi32, #tpu.memory_space<vmem>>, vector<16xi32>,
    %swap3A_199 = vector.shape_cast %swap3A_198 : vector<16xi32> to vector<16xi32>
    %swap3A_200 = vector.shape_cast %add3A_196 : vector<16xi32> to vector<16xi32>
    tpu.vector_store %arg13[%swap3A_197], %swap3A_200 {strides = array<i32>} : memref<128xi32, #tpu.memory_space<vmem>>, vector<16xi32>,
    %mul3A_201 = arith.constant 2048 : i32
    %mul3A_202 = vector.broadcast %mul3A_201 : i32 to vector<16xi32>
    %mul3A_203 = arith.muli %min3A_172, %mul3A_202 : vector<16xi32>
    %add3A_204 = arith.addi %mul3A_203, %min3A_182 : vector<16xi32>
    %swap3A_205 = arith.constant 64 : index
    %swap3A_206 = tpu.vector_load %arg14[%swap3A_205] {strides = array<i32>} : memref<128xi32, #tpu.memory_space<vmem>>, vector<16xi32>,
    %swap3A_207 = vector.shape_cast %swap3A_206 : vector<16xi32> to vector<16xi32>
    %swap3A_208 = vector.shape_cast %add3A_204 : vector<16xi32> to vector<16xi32>
    tpu.vector_store %arg14[%swap3A_205], %swap3A_208 {strides = array<i32>} : memref<128xi32, #tpu.memory_space<vmem>>, vector<16xi32>,
    %get3A_209 = arith.constant 80 : index
    %get3A_210 = tpu.vector_load %arg10[%get3A_209] {strides = array<i32>} : memref<128xi32, #tpu.memory_space<vmem>>, vector<16xi32>,
    %get3A_211 = vector.shape_cast %get3A_210 : vector<16xi32> to vector<16xi32>
    %min3A_212 = arith.constant 99 : i32
    %min3A_213 = vector.broadcast %min3A_212 : i32 to vector<16xi32>
    %min3A_214 = arith.minsi %get3A_211, %min3A_213 : vector<16xi32>
    %get3A_215 = arith.constant 80 : index
    %get3A_216 = tpu.vector_load %arg11[%get3A_215] {strides = array<i32>} : memref<128xi32, #tpu.memory_space<vmem>>, vector<16xi32>,
    %get3A_217 = vector.shape_cast %get3A_216 : vector<16xi32> to vector<16xi32>
    %get3A_218 = arith.constant 80 : index
    %get3A_219 = tpu.vector_load %arg12[%get3A_218] {strides = array<i32>} : memref<128xi32, #tpu.memory_space<vmem>>, vector<16xi32>,
    %get3A_220 = vector.shape_cast %get3A_219 : vector<16xi32> to vector<16xi32>
    %sub3A_221 = arith.constant 1 : i32
    %sub3A_222 = vector.broadcast %sub3A_221 : i32 to vector<16xi32>
    %sub3A_223 = arith.subi %get3A_220, %sub3A_222 : vector<16xi32>
    %min3A_224 = arith.minsi %get3A_217, %sub3A_223 : vector<16xi32>
    %mul3A_225 = arith.constant 122880 : i32
    %mul3A_226 = vector.broadcast %mul3A_225 : i32 to vector<16xi32>
    %mul3A_227 = arith.muli %min3A_214, %mul3A_226 : vector<16xi32>
    %shift_right_arithmetic3A_228 = arith.constant 7 : i32
    %shift_right_arithmetic3A_229 = vector.broadcast %shift_right_arithmetic3A_228 : i32 to vector<16xi32>
    %shift_right_arithmetic3A_230 = arith.shrsi %min3A_224, %shift_right_arithmetic3A_229 : vector<16xi32>
    %mul3A_231 = arith.constant 512 : i32
    %mul3A_232 = vector.broadcast %mul3A_231 : i32 to vector<16xi32>
    %mul3A_233 = arith.muli %shift_right_arithmetic3A_230, %mul3A_232 : vector<16xi32>
    %add3A_234 = arith.addi %mul3A_227, %mul3A_233 : vector<16xi32>
    %and3A_235 = arith.constant 127 : i32
    %and3A_236 = vector.broadcast %and3A_235 : i32 to vector<16xi32>
    %and3A_237 = arith.andi %min3A_224, %and3A_236 : vector<16xi32>
    %add3A_238 = arith.addi %add3A_234, %and3A_237 : vector<16xi32>
    %swap3A_239 = arith.constant 80 : index
    %swap3A_240 = tpu.vector_load %arg13[%swap3A_239] {strides = array<i32>} : memref<128xi32, #tpu.memory_space<vmem>>, vector<16xi32>,
    %swap3A_241 = vector.shape_cast %swap3A_240 : vector<16xi32> to vector<16xi32>
    %swap3A_242 = vector.shape_cast %add3A_238 : vector<16xi32> to vector<16xi32>
    tpu.vector_store %arg13[%swap3A_239], %swap3A_242 {strides = array<i32>} : memref<128xi32, #tpu.memory_space<vmem>>, vector<16xi32>,
    %mul3A_243 = arith.constant 2048 : i32
    %mul3A_244 = vector.broadcast %mul3A_243 : i32 to vector<16xi32>
    %mul3A_245 = arith.muli %min3A_214, %mul3A_244 : vector<16xi32>
    %add3A_246 = arith.addi %mul3A_245, %min3A_224 : vector<16xi32>
    %swap3A_247 = arith.constant 80 : index
    %swap3A_248 = tpu.vector_load %arg14[%swap3A_247] {strides = array<i32>} : memref<128xi32, #tpu.memory_space<vmem>>, vector<16xi32>,
    %swap3A_249 = vector.shape_cast %swap3A_248 : vector<16xi32> to vector<16xi32>
    %swap3A_250 = vector.shape_cast %add3A_246 : vector<16xi32> to vector<16xi32>
    tpu.vector_store %arg14[%swap3A_247], %swap3A_250 {strides = array<i32>} : memref<128xi32, #tpu.memory_space<vmem>>, vector<16xi32>,
    %get3A_251 = arith.constant 96 : index
    %get3A_252 = tpu.vector_load %arg10[%get3A_251] {strides = array<i32>} : memref<128xi32, #tpu.memory_space<vmem>>, vector<16xi32>,
    %get3A_253 = vector.shape_cast %get3A_252 : vector<16xi32> to vector<16xi32>
    %min3A_254 = arith.constant 99 : i32
    %min3A_255 = vector.broadcast %min3A_254 : i32 to vector<16xi32>
    %min3A_256 = arith.minsi %get3A_253, %min3A_255 : vector<16xi32>
    %get3A_257 = arith.constant 96 : index
    %get3A_258 = tpu.vector_load %arg11[%get3A_257] {strides = array<i32>} : memref<128xi32, #tpu.memory_space<vmem>>, vector<16xi32>,
    %get3A_259 = vector.shape_cast %get3A_258 : vector<16xi32> to vector<16xi32>
    %get3A_260 = arith.constant 96 : index
    %get3A_261 = tpu.vector_load %arg12[%get3A_260] {strides = array<i32>} : memref<128xi32, #tpu.memory_space<vmem>>, vector<16xi32>,
    %get3A_262 = vector.shape_cast %get3A_261 : vector<16xi32> to vector<16xi32>
    %sub3A_263 = arith.constant 1 : i32
    %sub3A_264 = vector.broadcast %sub3A_263 : i32 to vector<16xi32>
    %sub3A_265 = arith.subi %get3A_262, %sub3A_264 : vector<16xi32>
    %min3A_266 = arith.minsi %get3A_259, %sub3A_265 : vector<16xi32>
    %mul3A_267 = arith.constant 122880 : i32
    %mul3A_268 = vector.broadcast %mul3A_267 : i32 to vector<16xi32>
    %mul3A_269 = arith.muli %min3A_256, %mul3A_268 : vector<16xi32>
    %shift_right_arithmetic3A_270 = arith.constant 7 : i32
    %shift_right_arithmetic3A_271 = vector.broadcast %shift_right_arithmetic3A_270 : i32 to vector<16xi32>
    %shift_right_arithmetic3A_272 = arith.shrsi %min3A_266, %shift_right_arithmetic3A_271 : vector<16xi32>
    %mul3A_273 = arith.constant 512 : i32
    %mul3A_274 = vector.broadcast %mul3A_273 : i32 to vector<16xi32>
    %mul3A_275 = arith.muli %shift_right_arithmetic3A_272, %mul3A_274 : vector<16xi32>
    %add3A_276 = arith.addi %mul3A_269, %mul3A_275 : vector<16xi32>
    %and3A_277 = arith.constant 127 : i32
    %and3A_278 = vector.broadcast %and3A_277 : i32 to vector<16xi32>
    %and3A_279 = arith.andi %min3A_266, %and3A_278 : vector<16xi32>
    %add3A_280 = arith.addi %add3A_276, %and3A_279 : vector<16xi32>
    %swap3A_281 = arith.constant 96 : index
    %swap3A_282 = tpu.vector_load %arg13[%swap3A_281] {strides = array<i32>} : memref<128xi32, #tpu.memory_space<vmem>>, vector<16xi32>,
    %swap3A_283 = vector.shape_cast %swap3A_282 : vector<16xi32> to vector<16xi32>
    %swap3A_284 = vector.shape_cast %add3A_280 : vector<16xi32> to vector<16xi32>
    tpu.vector_store %arg13[%swap3A_281], %swap3A_284 {strides = array<i32>} : memref<128xi32, #tpu.memory_space<vmem>>, vector<16xi32>,
    %mul3A_285 = arith.constant 2048 : i32
    %mul3A_286 = vector.broadcast %mul3A_285 : i32 to vector<16xi32>
    %mul3A_287 = arith.muli %min3A_256, %mul3A_286 : vector<16xi32>
    %add3A_288 = arith.addi %mul3A_287, %min3A_266 : vector<16xi32>
    %swap3A_289 = arith.constant 96 : index
    %swap3A_290 = tpu.vector_load %arg14[%swap3A_289] {strides = array<i32>} : memref<128xi32, #tpu.memory_space<vmem>>, vector<16xi32>,
    %swap3A_291 = vector.shape_cast %swap3A_290 : vector<16xi32> to vector<16xi32>
    %swap3A_292 = vector.shape_cast %add3A_288 : vector<16xi32> to vector<16xi32>
    tpu.vector_store %arg14[%swap3A_289], %swap3A_292 {strides = array<i32>} : memref<128xi32, #tpu.memory_space<vmem>>, vector<16xi32>,
    %get3A_293 = arith.constant 112 : index
    %get3A_294 = tpu.vector_load %arg10[%get3A_293] {strides = array<i32>} : memref<128xi32, #tpu.memory_space<vmem>>, vector<16xi32>,
    %get3A_295 = vector.shape_cast %get3A_294 : vector<16xi32> to vector<16xi32>
    %min3A_296 = arith.constant 99 : i32
    %min3A_297 = vector.broadcast %min3A_296 : i32 to vector<16xi32>
    %min3A_298 = arith.minsi %get3A_295, %min3A_297 : vector<16xi32>
    %get3A_299 = arith.constant 112 : index
    %get3A_300 = tpu.vector_load %arg11[%get3A_299] {strides = array<i32>} : memref<128xi32, #tpu.memory_space<vmem>>, vector<16xi32>,
    %get3A_301 = vector.shape_cast %get3A_300 : vector<16xi32> to vector<16xi32>
    %get3A_302 = arith.constant 112 : index
    %get3A_303 = tpu.vector_load %arg12[%get3A_302] {strides = array<i32>} : memref<128xi32, #tpu.memory_space<vmem>>, vector<16xi32>,
    %get3A_304 = vector.shape_cast %get3A_303 : vector<16xi32> to vector<16xi32>
    %sub3A_305 = arith.constant 1 : i32
    %sub3A_306 = vector.broadcast %sub3A_305 : i32 to vector<16xi32>
    %sub3A_307 = arith.subi %get3A_304, %sub3A_306 : vector<16xi32>
    %min3A_308 = arith.minsi %get3A_301, %sub3A_307 : vector<16xi32>
    %mul3A_309 = arith.constant 122880 : i32
    %mul3A_310 = vector.broadcast %mul3A_309 : i32 to vector<16xi32>
    %mul3A_311 = arith.muli %min3A_298, %mul3A_310 : vector<16xi32>
    %shift_right_arithmetic3A_312 = arith.constant 7 : i32
    %shift_right_arithmetic3A_313 = vector.broadcast %shift_right_arithmetic3A_312 : i32 to vector<16xi32>
    %shift_right_arithmetic3A_314 = arith.shrsi %min3A_308, %shift_right_arithmetic3A_313 : vector<16xi32>
    %mul3A_315 = arith.constant 512 : i32
    %mul3A_316 = vector.broadcast %mul3A_315 : i32 to vector<16xi32>
    %mul3A_317 = arith.muli %shift_right_arithmetic3A_314, %mul3A_316 : vector<16xi32>
    %add3A_318 = arith.addi %mul3A_311, %mul3A_317 : vector<16xi32>
    %and3A_319 = arith.constant 127 : i32
    %and3A_320 = vector.broadcast %and3A_319 : i32 to vector<16xi32>
    %and3A_321 = arith.andi %min3A_308, %and3A_320 : vector<16xi32>
    %add3A_322 = arith.addi %add3A_318, %and3A_321 : vector<16xi32>
    %swap3A_323 = arith.constant 112 : index
    %swap3A_324 = tpu.vector_load %arg13[%swap3A_323] {strides = array<i32>} : memref<128xi32, #tpu.memory_space<vmem>>, vector<16xi32>,
    %swap3A_325 = vector.shape_cast %swap3A_324 : vector<16xi32> to vector<16xi32>
    %swap3A_326 = vector.shape_cast %add3A_322 : vector<16xi32> to vector<16xi32>
    tpu.vector_store %arg13[%swap3A_323], %swap3A_326 {strides = array<i32>} : memref<128xi32, #tpu.memory_space<vmem>>, vector<16xi32>,
    %mul3A_327 = arith.constant 2048 : i32
    %mul3A_328 = vector.broadcast %mul3A_327 : i32 to vector<16xi32>
    %mul3A_329 = arith.muli %min3A_298, %mul3A_328 : vector<16xi32>
    %add3A_330 = arith.addi %mul3A_329, %min3A_308 : vector<16xi32>
    %swap3A_331 = arith.constant 112 : index
    %swap3A_332 = tpu.vector_load %arg14[%swap3A_331] {strides = array<i32>} : memref<128xi32, #tpu.memory_space<vmem>>, vector<16xi32>,
    %swap3A_333 = vector.shape_cast %swap3A_332 : vector<16xi32> to vector<16xi32>
    %swap3A_334 = vector.shape_cast %add3A_330 : vector<16xi32> to vector<16xi32>
    tpu.vector_store %arg14[%swap3A_331], %swap3A_334 {strides = array<i32>} : memref<128xi32, #tpu.memory_space<vmem>>, vector<16xi32>,
    %scan3A = arith.constant 0 : i32
    %scan3A_335 = arith.constant 0 : i32
    %scan3A_336 = arith.constant 60 : i32
    %scan3A_337 = arith.addi %scan3A_335, %scan3A_336 : i32
    %scan3A_338 = arith.constant 1 : i32
    %scan3A_339 = scf.for %scan3A_387 = %scan3A_335 to %scan3A_337 step %scan3A_338 iter_args(%scan3A_388 = %scan3A) -> (i32)  : i32 {
      %shift_right_arithmetic3A_389 = arith.constant 2 : i32
      %shift_right_arithmetic3A_390 = arith.shrsi %scan3A_387, %shift_right_arithmetic3A_389 : i32
      %mul3A_391 = arith.constant 8192 : i32
      %mul3A_392 = arith.muli %shift_right_arithmetic3A_390, %mul3A_391 : i32
      %and3A_393 = arith.constant 3 : i32
      %and3A_394 = arith.andi %scan3A_387, %and3A_393 : i32
      %mul3A_395 = arith.constant 128 : i32
      %mul3A_396 = arith.muli %and3A_394, %mul3A_395 : i32
      %add3A_397 = arith.addi %mul3A_392, %mul3A_396 : i32
      %get3A_398 = arith.constant 0 : index
      %get3A_399 = tpu.vector_load %arg13[%get3A_398] {strides = array<i32>} : memref<128xi32, #tpu.memory_space<vmem>>, vector<16xi32>,
      %get3A_400 = vector.shape_cast %get3A_399 : vector<16xi32> to vector<16xi32>
      %add3A_401 = vector.broadcast %add3A_397 : i32 to vector<16xi32>
      %add3A_402 = arith.addi %get3A_400, %add3A_401 : vector<16xi32>
      %mul3A_403 = arith.constant 128 : i32
      %mul3A_404 = arith.muli %scan3A_387, %mul3A_403 : i32
      %add3A_405 = arith.constant 0 : i32
      %add3A_406 = arith.addi %mul3A_404, %add3A_405 : i32
      %swap3A_407 = arith.index_cast %add3A_406 : i32 to index
      %swap3A_408 = tpu.vector_load %arg15[%swap3A_407] {strides = array<i32>} : memref<7680xi32, #tpu.memory_space<vmem>>, vector<16xi32>,
      %swap3A_409 = vector.shape_cast %swap3A_408 : vector<16xi32> to vector<16xi32>
      %swap3A_410 = vector.shape_cast %add3A_402 : vector<16xi32> to vector<16xi32>
      tpu.vector_store %arg15[%swap3A_407], %swap3A_410 {strides = array<i32>} : memref<7680xi32, #tpu.memory_space<vmem>>, vector<16xi32>,
      %get3A_411 = arith.constant 16 : index
      %get3A_412 = tpu.vector_load %arg13[%get3A_411] {strides = array<i32>} : memref<128xi32, #tpu.memory_space<vmem>>, vector<16xi32>,
      %get3A_413 = vector.shape_cast %get3A_412 : vector<16xi32> to vector<16xi32>
      %add3A_414 = vector.broadcast %add3A_397 : i32 to vector<16xi32>
      %add3A_415 = arith.addi %get3A_413, %add3A_414 : vector<16xi32>
      %mul3A_416 = arith.constant 128 : i32
      %mul3A_417 = arith.muli %scan3A_387, %mul3A_416 : i32
      %add3A_418 = arith.constant 16 : i32
      %add3A_419 = arith.addi %mul3A_417, %add3A_418 : i32
      %swap3A_420 = arith.index_cast %add3A_419 : i32 to index
      %swap3A_421 = tpu.vector_load %arg15[%swap3A_420] {strides = array<i32>} : memref<7680xi32, #tpu.memory_space<vmem>>, vector<16xi32>,
      %swap3A_422 = vector.shape_cast %swap3A_421 : vector<16xi32> to vector<16xi32>
      %swap3A_423 = vector.shape_cast %add3A_415 : vector<16xi32> to vector<16xi32>
      tpu.vector_store %arg15[%swap3A_420], %swap3A_423 {strides = array<i32>} : memref<7680xi32, #tpu.memory_space<vmem>>, vector<16xi32>,
      %get3A_424 = arith.constant 32 : index
      %get3A_425 = tpu.vector_load %arg13[%get3A_424] {strides = array<i32>} : memref<128xi32, #tpu.memory_space<vmem>>, vector<16xi32>,
      %get3A_426 = vector.shape_cast %get3A_425 : vector<16xi32> to vector<16xi32>
      %add3A_427 = vector.broadcast %add3A_397 : i32 to vector<16xi32>
      %add3A_428 = arith.addi %get3A_426, %add3A_427 : vector<16xi32>
      %mul3A_429 = arith.constant 128 : i32
      %mul3A_430 = arith.muli %scan3A_387, %mul3A_429 : i32
      %add3A_431 = arith.constant 32 : i32
      %add3A_432 = arith.addi %mul3A_430, %add3A_431 : i32
      %swap3A_433 = arith.index_cast %add3A_432 : i32 to index
      %swap3A_434 = tpu.vector_load %arg15[%swap3A_433] {strides = array<i32>} : memref<7680xi32, #tpu.memory_space<vmem>>, vector<16xi32>,
      %swap3A_435 = vector.shape_cast %swap3A_434 : vector<16xi32> to vector<16xi32>
      %swap3A_436 = vector.shape_cast %add3A_428 : vector<16xi32> to vector<16xi32>
      tpu.vector_store %arg15[%swap3A_433], %swap3A_436 {strides = array<i32>} : memref<7680xi32, #tpu.memory_space<vmem>>, vector<16xi32>,
      %get3A_437 = arith.constant 48 : index
      %get3A_438 = tpu.vector_load %arg13[%get3A_437] {strides = array<i32>} : memref<128xi32, #tpu.memory_space<vmem>>, vector<16xi32>,
      %get3A_439 = vector.shape_cast %get3A_438 : vector<16xi32> to vector<16xi32>
      %add3A_440 = vector.broadcast %add3A_397 : i32 to vector<16xi32>
      %add3A_441 = arith.addi %get3A_439, %add3A_440 : vector<16xi32>
      %mul3A_442 = arith.constant 128 : i32
      %mul3A_443 = arith.muli %scan3A_387, %mul3A_442 : i32
      %add3A_444 = arith.constant 48 : i32
      %add3A_445 = arith.addi %mul3A_443, %add3A_444 : i32
      %swap3A_446 = arith.index_cast %add3A_445 : i32 to index
      %swap3A_447 = tpu.vector_load %arg15[%swap3A_446] {strides = array<i32>} : memref<7680xi32, #tpu.memory_space<vmem>>, vector<16xi32>,
      %swap3A_448 = vector.shape_cast %swap3A_447 : vector<16xi32> to vector<16xi32>
      %swap3A_449 = vector.shape_cast %add3A_441 : vector<16xi32> to vector<16xi32>
      tpu.vector_store %arg15[%swap3A_446], %swap3A_449 {strides = array<i32>} : memref<7680xi32, #tpu.memory_space<vmem>>, vector<16xi32>,
      %get3A_450 = arith.constant 64 : index
      %get3A_451 = tpu.vector_load %arg13[%get3A_450] {strides = array<i32>} : memref<128xi32, #tpu.memory_space<vmem>>, vector<16xi32>,
      %get3A_452 = vector.shape_cast %get3A_451 : vector<16xi32> to vector<16xi32>
      %add3A_453 = vector.broadcast %add3A_397 : i32 to vector<16xi32>
      %add3A_454 = arith.addi %get3A_452, %add3A_453 : vector<16xi32>
      %mul3A_455 = arith.constant 128 : i32
      %mul3A_456 = arith.muli %scan3A_387, %mul3A_455 : i32
      %add3A_457 = arith.constant 64 : i32
      %add3A_458 = arith.addi %mul3A_456, %add3A_457 : i32
      %swap3A_459 = arith.index_cast %add3A_458 : i32 to index
      %swap3A_460 = tpu.vector_load %arg15[%swap3A_459] {strides = array<i32>} : memref<7680xi32, #tpu.memory_space<vmem>>, vector<16xi32>,
      %swap3A_461 = vector.shape_cast %swap3A_460 : vector<16xi32> to vector<16xi32>
      %swap3A_462 = vector.shape_cast %add3A_454 : vector<16xi32> to vector<16xi32>
      tpu.vector_store %arg15[%swap3A_459], %swap3A_462 {strides = array<i32>} : memref<7680xi32, #tpu.memory_space<vmem>>, vector<16xi32>,
      %get3A_463 = arith.constant 80 : index
      %get3A_464 = tpu.vector_load %arg13[%get3A_463] {strides = array<i32>} : memref<128xi32, #tpu.memory_space<vmem>>, vector<16xi32>,
      %get3A_465 = vector.shape_cast %get3A_464 : vector<16xi32> to vector<16xi32>
      %add3A_466 = vector.broadcast %add3A_397 : i32 to vector<16xi32>
      %add3A_467 = arith.addi %get3A_465, %add3A_466 : vector<16xi32>
      %mul3A_468 = arith.constant 128 : i32
      %mul3A_469 = arith.muli %scan3A_387, %mul3A_468 : i32
      %add3A_470 = arith.constant 80 : i32
      %add3A_471 = arith.addi %mul3A_469, %add3A_470 : i32
      %swap3A_472 = arith.index_cast %add3A_471 : i32 to index
      %swap3A_473 = tpu.vector_load %arg15[%swap3A_472] {strides = array<i32>} : memref<7680xi32, #tpu.memory_space<vmem>>, vector<16xi32>,
      %swap3A_474 = vector.shape_cast %swap3A_473 : vector<16xi32> to vector<16xi32>
      %swap3A_475 = vector.shape_cast %add3A_467 : vector<16xi32> to vector<16xi32>
      tpu.vector_store %arg15[%swap3A_472], %swap3A_475 {strides = array<i32>} : memref<7680xi32, #tpu.memory_space<vmem>>, vector<16xi32>,
      %get3A_476 = arith.constant 96 : index
      %get3A_477 = tpu.vector_load %arg13[%get3A_476] {strides = array<i32>} : memref<128xi32, #tpu.memory_space<vmem>>, vector<16xi32>,
      %get3A_478 = vector.shape_cast %get3A_477 : vector<16xi32> to vector<16xi32>
      %add3A_479 = vector.broadcast %add3A_397 : i32 to vector<16xi32>
      %add3A_480 = arith.addi %get3A_478, %add3A_479 : vector<16xi32>
      %mul3A_481 = arith.constant 128 : i32
      %mul3A_482 = arith.muli %scan3A_387, %mul3A_481 : i32
      %add3A_483 = arith.constant 96 : i32
      %add3A_484 = arith.addi %mul3A_482, %add3A_483 : i32
      %swap3A_485 = arith.index_cast %add3A_484 : i32 to index
      %swap3A_486 = tpu.vector_load %arg15[%swap3A_485] {strides = array<i32>} : memref<7680xi32, #tpu.memory_space<vmem>>, vector<16xi32>,
      %swap3A_487 = vector.shape_cast %swap3A_486 : vector<16xi32> to vector<16xi32>
      %swap3A_488 = vector.shape_cast %add3A_480 : vector<16xi32> to vector<16xi32>
      tpu.vector_store %arg15[%swap3A_485], %swap3A_488 {strides = array<i32>} : memref<7680xi32, #tpu.memory_space<vmem>>, vector<16xi32>,
      %get3A_489 = arith.constant 112 : index
      %get3A_490 = tpu.vector_load %arg13[%get3A_489] {strides = array<i32>} : memref<128xi32, #tpu.memory_space<vmem>>, vector<16xi32>,
      %get3A_491 = vector.shape_cast %get3A_490 : vector<16xi32> to vector<16xi32>
      %add3A_492 = vector.broadcast %add3A_397 : i32 to vector<16xi32>
      %add3A_493 = arith.addi %get3A_491, %add3A_492 : vector<16xi32>
      %mul3A_494 = arith.constant 128 : i32
      %mul3A_495 = arith.muli %scan3A_387, %mul3A_494 : i32
      %add3A_496 = arith.constant 112 : i32
      %add3A_497 = arith.addi %mul3A_495, %add3A_496 : i32
      %swap3A_498 = arith.index_cast %add3A_497 : i32 to index
      %swap3A_499 = tpu.vector_load %arg15[%swap3A_498] {strides = array<i32>} : memref<7680xi32, #tpu.memory_space<vmem>>, vector<16xi32>,
      %swap3A_500 = vector.shape_cast %swap3A_499 : vector<16xi32> to vector<16xi32>
      %swap3A_501 = vector.shape_cast %add3A_493 : vector<16xi32> to vector<16xi32>
      tpu.vector_store %arg15[%swap3A_498], %swap3A_501 {strides = array<i32>} : memref<7680xi32, #tpu.memory_space<vmem>>, vector<16xi32>,
      %scan3A_502 = arith.constant 0 : i32
      scf.yield %scan3A_502 : i32
    }
    %scan3A_340 = arith.constant 60 : i32
    %scan3A_341 = arith.constant 0 : i32
    %scan3A_342 = arith.constant 0 : i32
    %scan3A_343 = arith.constant 29 : i32
    %scan3A_344 = arith.addi %scan3A_342, %scan3A_343 : i32
    %scan3A_345 = arith.constant 1 : i32
    %scan3A_346 = scf.for %scan3A_387 = %scan3A_342 to %scan3A_344 step %scan3A_345 iter_args(%scan3A_388 = %scan3A_341) -> (i32)  : i32 {
      %get3A_389 = arith.constant 0 : index
      %get3A_390 = tpu.vector_load %arg14[%get3A_389] {strides = array<i32>} : memref<128xi32, #tpu.memory_space<vmem>>, vector<16xi32>,
      %get3A_391 = vector.shape_cast %get3A_390 : vector<16xi32> to vector<16xi32>
      %mul3A_392 = arith.constant 204800 : i32
      %mul3A_393 = arith.muli %scan3A_387, %mul3A_392 : i32
      %add3A_394 = vector.broadcast %mul3A_393 : i32 to vector<16xi32>
      %add3A_395 = arith.addi %get3A_391, %add3A_394 : vector<16xi32>
      %mul3A_396 = arith.constant 128 : i32
      %mul3A_397 = arith.muli %scan3A_387, %mul3A_396 : i32
      %add3A_398 = arith.constant 0 : i32
      %add3A_399 = arith.addi %mul3A_397, %add3A_398 : i32
      %swap3A_400 = arith.index_cast %add3A_399 : i32 to index
      %swap3A_401 = tpu.vector_load %arg16[%swap3A_400] {strides = array<i32>} : memref<3712xi32, #tpu.memory_space<vmem>>, vector<16xi32>,
      %swap3A_402 = vector.shape_cast %swap3A_401 : vector<16xi32> to vector<16xi32>
      %swap3A_403 = vector.shape_cast %add3A_395 : vector<16xi32> to vector<16xi32>
      tpu.vector_store %arg16[%swap3A_400], %swap3A_403 {strides = array<i32>} : memref<3712xi32, #tpu.memory_space<vmem>>, vector<16xi32>,
      %get3A_404 = arith.constant 16 : index
      %get3A_405 = tpu.vector_load %arg14[%get3A_404] {strides = array<i32>} : memref<128xi32, #tpu.memory_space<vmem>>, vector<16xi32>,
      %get3A_406 = vector.shape_cast %get3A_405 : vector<16xi32> to vector<16xi32>
      %mul3A_407 = arith.constant 204800 : i32
      %mul3A_408 = arith.muli %scan3A_387, %mul3A_407 : i32
      %add3A_409 = vector.broadcast %mul3A_408 : i32 to vector<16xi32>
      %add3A_410 = arith.addi %get3A_406, %add3A_409 : vector<16xi32>
      %mul3A_411 = arith.constant 128 : i32
      %mul3A_412 = arith.muli %scan3A_387, %mul3A_411 : i32
      %add3A_413 = arith.constant 16 : i32
      %add3A_414 = arith.addi %mul3A_412, %add3A_413 : i32
      %swap3A_415 = arith.index_cast %add3A_414 : i32 to index
      %swap3A_416 = tpu.vector_load %arg16[%swap3A_415] {strides = array<i32>} : memref<3712xi32, #tpu.memory_space<vmem>>, vector<16xi32>,
      %swap3A_417 = vector.shape_cast %swap3A_416 : vector<16xi32> to vector<16xi32>
      %swap3A_418 = vector.shape_cast %add3A_410 : vector<16xi32> to vector<16xi32>
      tpu.vector_store %arg16[%swap3A_415], %swap3A_418 {strides = array<i32>} : memref<3712xi32, #tpu.memory_space<vmem>>, vector<16xi32>,
      %get3A_419 = arith.constant 32 : index
      %get3A_420 = tpu.vector_load %arg14[%get3A_419] {strides = array<i32>} : memref<128xi32, #tpu.memory_space<vmem>>, vector<16xi32>,
      %get3A_421 = vector.shape_cast %get3A_420 : vector<16xi32> to vector<16xi32>
      %mul3A_422 = arith.constant 204800 : i32
      %mul3A_423 = arith.muli %scan3A_387, %mul3A_422 : i32
      %add3A_424 = vector.broadcast %mul3A_423 : i32 to vector<16xi32>
      %add3A_425 = arith.addi %get3A_421, %add3A_424 : vector<16xi32>
      %mul3A_426 = arith.constant 128 : i32
      %mul3A_427 = arith.muli %scan3A_387, %mul3A_426 : i32
      %add3A_428 = arith.constant 32 : i32
      %add3A_429 = arith.addi %mul3A_427, %add3A_428 : i32
      %swap3A_430 = arith.index_cast %add3A_429 : i32 to index
      %swap3A_431 = tpu.vector_load %arg16[%swap3A_430] {strides = array<i32>} : memref<3712xi32, #tpu.memory_space<vmem>>, vector<16xi32>,
      %swap3A_432 = vector.shape_cast %swap3A_431 : vector<16xi32> to vector<16xi32>
      %swap3A_433 = vector.shape_cast %add3A_425 : vector<16xi32> to vector<16xi32>
      tpu.vector_store %arg16[%swap3A_430], %swap3A_433 {strides = array<i32>} : memref<3712xi32, #tpu.memory_space<vmem>>, vector<16xi32>,
      %get3A_434 = arith.constant 48 : index
      %get3A_435 = tpu.vector_load %arg14[%get3A_434] {strides = array<i32>} : memref<128xi32, #tpu.memory_space<vmem>>, vector<16xi32>,
      %get3A_436 = vector.shape_cast %get3A_435 : vector<16xi32> to vector<16xi32>
      %mul3A_437 = arith.constant 204800 : i32
      %mul3A_438 = arith.muli %scan3A_387, %mul3A_437 : i32
      %add3A_439 = vector.broadcast %mul3A_438 : i32 to vector<16xi32>
      %add3A_440 = arith.addi %get3A_436, %add3A_439 : vector<16xi32>
      %mul3A_441 = arith.constant 128 : i32
      %mul3A_442 = arith.muli %scan3A_387, %mul3A_441 : i32
      %add3A_443 = arith.constant 48 : i32
      %add3A_444 = arith.addi %mul3A_442, %add3A_443 : i32
      %swap3A_445 = arith.index_cast %add3A_444 : i32 to index
      %swap3A_446 = tpu.vector_load %arg16[%swap3A_445] {strides = array<i32>} : memref<3712xi32, #tpu.memory_space<vmem>>, vector<16xi32>,
      %swap3A_447 = vector.shape_cast %swap3A_446 : vector<16xi32> to vector<16xi32>
      %swap3A_448 = vector.shape_cast %add3A_440 : vector<16xi32> to vector<16xi32>
      tpu.vector_store %arg16[%swap3A_445], %swap3A_448 {strides = array<i32>} : memref<3712xi32, #tpu.memory_space<vmem>>, vector<16xi32>,
      %get3A_449 = arith.constant 64 : index
      %get3A_450 = tpu.vector_load %arg14[%get3A_449] {strides = array<i32>} : memref<128xi32, #tpu.memory_space<vmem>>, vector<16xi32>,
      %get3A_451 = vector.shape_cast %get3A_450 : vector<16xi32> to vector<16xi32>
      %mul3A_452 = arith.constant 204800 : i32
      %mul3A_453 = arith.muli %scan3A_387, %mul3A_452 : i32
      %add3A_454 = vector.broadcast %mul3A_453 : i32 to vector<16xi32>
      %add3A_455 = arith.addi %get3A_451, %add3A_454 : vector<16xi32>
      %mul3A_456 = arith.constant 128 : i32
      %mul3A_457 = arith.muli %scan3A_387, %mul3A_456 : i32
      %add3A_458 = arith.constant 64 : i32
      %add3A_459 = arith.addi %mul3A_457, %add3A_458 : i32
      %swap3A_460 = arith.index_cast %add3A_459 : i32 to index
      %swap3A_461 = tpu.vector_load %arg16[%swap3A_460] {strides = array<i32>} : memref<3712xi32, #tpu.memory_space<vmem>>, vector<16xi32>,
      %swap3A_462 = vector.shape_cast %swap3A_461 : vector<16xi32> to vector<16xi32>
      %swap3A_463 = vector.shape_cast %add3A_455 : vector<16xi32> to vector<16xi32>
      tpu.vector_store %arg16[%swap3A_460], %swap3A_463 {strides = array<i32>} : memref<3712xi32, #tpu.memory_space<vmem>>, vector<16xi32>,
      %get3A_464 = arith.constant 80 : index
      %get3A_465 = tpu.vector_load %arg14[%get3A_464] {strides = array<i32>} : memref<128xi32, #tpu.memory_space<vmem>>, vector<16xi32>,
      %get3A_466 = vector.shape_cast %get3A_465 : vector<16xi32> to vector<16xi32>
      %mul3A_467 = arith.constant 204800 : i32
      %mul3A_468 = arith.muli %scan3A_387, %mul3A_467 : i32
      %add3A_469 = vector.broadcast %mul3A_468 : i32 to vector<16xi32>
      %add3A_470 = arith.addi %get3A_466, %add3A_469 : vector<16xi32>
      %mul3A_471 = arith.constant 128 : i32
      %mul3A_472 = arith.muli %scan3A_387, %mul3A_471 : i32
      %add3A_473 = arith.constant 80 : i32
      %add3A_474 = arith.addi %mul3A_472, %add3A_473 : i32
      %swap3A_475 = arith.index_cast %add3A_474 : i32 to index
      %swap3A_476 = tpu.vector_load %arg16[%swap3A_475] {strides = array<i32>} : memref<3712xi32, #tpu.memory_space<vmem>>, vector<16xi32>,
      %swap3A_477 = vector.shape_cast %swap3A_476 : vector<16xi32> to vector<16xi32>
      %swap3A_478 = vector.shape_cast %add3A_470 : vector<16xi32> to vector<16xi32>
      tpu.vector_store %arg16[%swap3A_475], %swap3A_478 {strides = array<i32>} : memref<3712xi32, #tpu.memory_space<vmem>>, vector<16xi32>,
      %get3A_479 = arith.constant 96 : index
      %get3A_480 = tpu.vector_load %arg14[%get3A_479] {strides = array<i32>} : memref<128xi32, #tpu.memory_space<vmem>>, vector<16xi32>,
      %get3A_481 = vector.shape_cast %get3A_480 : vector<16xi32> to vector<16xi32>
      %mul3A_482 = arith.constant 204800 : i32
      %mul3A_483 = arith.muli %scan3A_387, %mul3A_482 : i32
      %add3A_484 = vector.broadcast %mul3A_483 : i32 to vector<16xi32>
      %add3A_485 = arith.addi %get3A_481, %add3A_484 : vector<16xi32>
      %mul3A_486 = arith.constant 128 : i32
      %mul3A_487 = arith.muli %scan3A_387, %mul3A_486 : i32
      %add3A_488 = arith.constant 96 : i32
      %add3A_489 = arith.addi %mul3A_487, %add3A_488 : i32
      %swap3A_490 = arith.index_cast %add3A_489 : i32 to index
      %swap3A_491 = tpu.vector_load %arg16[%swap3A_490] {strides = array<i32>} : memref<3712xi32, #tpu.memory_space<vmem>>, vector<16xi32>,
      %swap3A_492 = vector.shape_cast %swap3A_491 : vector<16xi32> to vector<16xi32>
      %swap3A_493 = vector.shape_cast %add3A_485 : vector<16xi32> to vector<16xi32>
      tpu.vector_store %arg16[%swap3A_490], %swap3A_493 {strides = array<i32>} : memref<3712xi32, #tpu.memory_space<vmem>>, vector<16xi32>,
      %get3A_494 = arith.constant 112 : index
      %get3A_495 = tpu.vector_load %arg14[%get3A_494] {strides = array<i32>} : memref<128xi32, #tpu.memory_space<vmem>>, vector<16xi32>,
      %get3A_496 = vector.shape_cast %get3A_495 : vector<16xi32> to vector<16xi32>
      %mul3A_497 = arith.constant 204800 : i32
      %mul3A_498 = arith.muli %scan3A_387, %mul3A_497 : i32
      %add3A_499 = vector.broadcast %mul3A_498 : i32 to vector<16xi32>
      %add3A_500 = arith.addi %get3A_496, %add3A_499 : vector<16xi32>
      %mul3A_501 = arith.constant 128 : i32
      %mul3A_502 = arith.muli %scan3A_387, %mul3A_501 : i32
      %add3A_503 = arith.constant 112 : i32
      %add3A_504 = arith.addi %mul3A_502, %add3A_503 : i32
      %swap3A_505 = arith.index_cast %add3A_504 : i32 to index
      %swap3A_506 = tpu.vector_load %arg16[%swap3A_505] {strides = array<i32>} : memref<3712xi32, #tpu.memory_space<vmem>>, vector<16xi32>,
      %swap3A_507 = vector.shape_cast %swap3A_506 : vector<16xi32> to vector<16xi32>
      %swap3A_508 = vector.shape_cast %add3A_500 : vector<16xi32> to vector<16xi32>
      tpu.vector_store %arg16[%swap3A_505], %swap3A_508 {strides = array<i32>} : memref<3712xi32, #tpu.memory_space<vmem>>, vector<16xi32>,
      %scan3A_509 = arith.constant 0 : i32
      scf.yield %scan3A_509 : i32
    }
    %scan3A_347 = arith.constant 29 : i32
    %scan3A_348 = arith.constant 0 : i32
    %scan3A_349 = arith.constant 0 : i32
    %scan3A_350 = arith.constant 45 : i32
    %scan3A_351 = arith.addi %scan3A_349, %scan3A_350 : i32
    %scan3A_352 = arith.constant 1 : i32
    %scan3A_353 = scf.for %scan3A_387 = %scan3A_349 to %scan3A_351 step %scan3A_352 iter_args(%scan3A_388 = %scan3A_348) -> (i32)  : i32 {
      %get3A_389 = arith.constant 0 : index
      %get3A_390 = tpu.vector_load %arg14[%get3A_389] {strides = array<i32>} : memref<128xi32, #tpu.memory_space<vmem>>, vector<16xi32>,
      %get3A_391 = vector.shape_cast %get3A_390 : vector<16xi32> to vector<16xi32>
      %mul3A_392 = arith.constant 204800 : i32
      %mul3A_393 = arith.muli %scan3A_387, %mul3A_392 : i32
      %add3A_394 = vector.broadcast %mul3A_393 : i32 to vector<16xi32>
      %add3A_395 = arith.addi %get3A_391, %add3A_394 : vector<16xi32>
      %mul3A_396 = arith.constant 128 : i32
      %mul3A_397 = arith.muli %scan3A_387, %mul3A_396 : i32
      %add3A_398 = arith.constant 0 : i32
      %add3A_399 = arith.addi %mul3A_397, %add3A_398 : i32
      %swap3A_400 = arith.index_cast %add3A_399 : i32 to index
      %swap3A_401 = tpu.vector_load %arg17[%swap3A_400] {strides = array<i32>} : memref<5760xi32, #tpu.memory_space<vmem>>, vector<16xi32>,
      %swap3A_402 = vector.shape_cast %swap3A_401 : vector<16xi32> to vector<16xi32>
      %swap3A_403 = vector.shape_cast %add3A_395 : vector<16xi32> to vector<16xi32>
      tpu.vector_store %arg17[%swap3A_400], %swap3A_403 {strides = array<i32>} : memref<5760xi32, #tpu.memory_space<vmem>>, vector<16xi32>,
      %get3A_404 = arith.constant 16 : index
      %get3A_405 = tpu.vector_load %arg14[%get3A_404] {strides = array<i32>} : memref<128xi32, #tpu.memory_space<vmem>>, vector<16xi32>,
      %get3A_406 = vector.shape_cast %get3A_405 : vector<16xi32> to vector<16xi32>
      %mul3A_407 = arith.constant 204800 : i32
      %mul3A_408 = arith.muli %scan3A_387, %mul3A_407 : i32
      %add3A_409 = vector.broadcast %mul3A_408 : i32 to vector<16xi32>
      %add3A_410 = arith.addi %get3A_406, %add3A_409 : vector<16xi32>
      %mul3A_411 = arith.constant 128 : i32
      %mul3A_412 = arith.muli %scan3A_387, %mul3A_411 : i32
      %add3A_413 = arith.constant 16 : i32
      %add3A_414 = arith.addi %mul3A_412, %add3A_413 : i32
      %swap3A_415 = arith.index_cast %add3A_414 : i32 to index
      %swap3A_416 = tpu.vector_load %arg17[%swap3A_415] {strides = array<i32>} : memref<5760xi32, #tpu.memory_space<vmem>>, vector<16xi32>,
      %swap3A_417 = vector.shape_cast %swap3A_416 : vector<16xi32> to vector<16xi32>
      %swap3A_418 = vector.shape_cast %add3A_410 : vector<16xi32> to vector<16xi32>
      tpu.vector_store %arg17[%swap3A_415], %swap3A_418 {strides = array<i32>} : memref<5760xi32, #tpu.memory_space<vmem>>, vector<16xi32>,
      %get3A_419 = arith.constant 32 : index
      %get3A_420 = tpu.vector_load %arg14[%get3A_419] {strides = array<i32>} : memref<128xi32, #tpu.memory_space<vmem>>, vector<16xi32>,
      %get3A_421 = vector.shape_cast %get3A_420 : vector<16xi32> to vector<16xi32>
      %mul3A_422 = arith.constant 204800 : i32
      %mul3A_423 = arith.muli %scan3A_387, %mul3A_422 : i32
      %add3A_424 = vector.broadcast %mul3A_423 : i32 to vector<16xi32>
      %add3A_425 = arith.addi %get3A_421, %add3A_424 : vector<16xi32>
      %mul3A_426 = arith.constant 128 : i32
      %mul3A_427 = arith.muli %scan3A_387, %mul3A_426 : i32
      %add3A_428 = arith.constant 32 : i32
      %add3A_429 = arith.addi %mul3A_427, %add3A_428 : i32
      %swap3A_430 = arith.index_cast %add3A_429 : i32 to index
      %swap3A_431 = tpu.vector_load %arg17[%swap3A_430] {strides = array<i32>} : memref<5760xi32, #tpu.memory_space<vmem>>, vector<16xi32>,
      %swap3A_432 = vector.shape_cast %swap3A_431 : vector<16xi32> to vector<16xi32>
      %swap3A_433 = vector.shape_cast %add3A_425 : vector<16xi32> to vector<16xi32>
      tpu.vector_store %arg17[%swap3A_430], %swap3A_433 {strides = array<i32>} : memref<5760xi32, #tpu.memory_space<vmem>>, vector<16xi32>,
      %get3A_434 = arith.constant 48 : index
      %get3A_435 = tpu.vector_load %arg14[%get3A_434] {strides = array<i32>} : memref<128xi32, #tpu.memory_space<vmem>>, vector<16xi32>,
      %get3A_436 = vector.shape_cast %get3A_435 : vector<16xi32> to vector<16xi32>
      %mul3A_437 = arith.constant 204800 : i32
      %mul3A_438 = arith.muli %scan3A_387, %mul3A_437 : i32
      %add3A_439 = vector.broadcast %mul3A_438 : i32 to vector<16xi32>
      %add3A_440 = arith.addi %get3A_436, %add3A_439 : vector<16xi32>
      %mul3A_441 = arith.constant 128 : i32
      %mul3A_442 = arith.muli %scan3A_387, %mul3A_441 : i32
      %add3A_443 = arith.constant 48 : i32
      %add3A_444 = arith.addi %mul3A_442, %add3A_443 : i32
      %swap3A_445 = arith.index_cast %add3A_444 : i32 to index
      %swap3A_446 = tpu.vector_load %arg17[%swap3A_445] {strides = array<i32>} : memref<5760xi32, #tpu.memory_space<vmem>>, vector<16xi32>,
      %swap3A_447 = vector.shape_cast %swap3A_446 : vector<16xi32> to vector<16xi32>
      %swap3A_448 = vector.shape_cast %add3A_440 : vector<16xi32> to vector<16xi32>
      tpu.vector_store %arg17[%swap3A_445], %swap3A_448 {strides = array<i32>} : memref<5760xi32, #tpu.memory_space<vmem>>, vector<16xi32>,
      %get3A_449 = arith.constant 64 : index
      %get3A_450 = tpu.vector_load %arg14[%get3A_449] {strides = array<i32>} : memref<128xi32, #tpu.memory_space<vmem>>, vector<16xi32>,
      %get3A_451 = vector.shape_cast %get3A_450 : vector<16xi32> to vector<16xi32>
      %mul3A_452 = arith.constant 204800 : i32
      %mul3A_453 = arith.muli %scan3A_387, %mul3A_452 : i32
      %add3A_454 = vector.broadcast %mul3A_453 : i32 to vector<16xi32>
      %add3A_455 = arith.addi %get3A_451, %add3A_454 : vector<16xi32>
      %mul3A_456 = arith.constant 128 : i32
      %mul3A_457 = arith.muli %scan3A_387, %mul3A_456 : i32
      %add3A_458 = arith.constant 64 : i32
      %add3A_459 = arith.addi %mul3A_457, %add3A_458 : i32
      %swap3A_460 = arith.index_cast %add3A_459 : i32 to index
      %swap3A_461 = tpu.vector_load %arg17[%swap3A_460] {strides = array<i32>} : memref<5760xi32, #tpu.memory_space<vmem>>, vector<16xi32>,
      %swap3A_462 = vector.shape_cast %swap3A_461 : vector<16xi32> to vector<16xi32>
      %swap3A_463 = vector.shape_cast %add3A_455 : vector<16xi32> to vector<16xi32>
      tpu.vector_store %arg17[%swap3A_460], %swap3A_463 {strides = array<i32>} : memref<5760xi32, #tpu.memory_space<vmem>>, vector<16xi32>,
      %get3A_464 = arith.constant 80 : index
      %get3A_465 = tpu.vector_load %arg14[%get3A_464] {strides = array<i32>} : memref<128xi32, #tpu.memory_space<vmem>>, vector<16xi32>,
      %get3A_466 = vector.shape_cast %get3A_465 : vector<16xi32> to vector<16xi32>
      %mul3A_467 = arith.constant 204800 : i32
      %mul3A_468 = arith.muli %scan3A_387, %mul3A_467 : i32
      %add3A_469 = vector.broadcast %mul3A_468 : i32 to vector<16xi32>
      %add3A_470 = arith.addi %get3A_466, %add3A_469 : vector<16xi32>
      %mul3A_471 = arith.constant 128 : i32
      %mul3A_472 = arith.muli %scan3A_387, %mul3A_471 : i32
      %add3A_473 = arith.constant 80 : i32
      %add3A_474 = arith.addi %mul3A_472, %add3A_473 : i32
      %swap3A_475 = arith.index_cast %add3A_474 : i32 to index
      %swap3A_476 = tpu.vector_load %arg17[%swap3A_475] {strides = array<i32>} : memref<5760xi32, #tpu.memory_space<vmem>>, vector<16xi32>,
      %swap3A_477 = vector.shape_cast %swap3A_476 : vector<16xi32> to vector<16xi32>
      %swap3A_478 = vector.shape_cast %add3A_470 : vector<16xi32> to vector<16xi32>
      tpu.vector_store %arg17[%swap3A_475], %swap3A_478 {strides = array<i32>} : memref<5760xi32, #tpu.memory_space<vmem>>, vector<16xi32>,
      %get3A_479 = arith.constant 96 : index
      %get3A_480 = tpu.vector_load %arg14[%get3A_479] {strides = array<i32>} : memref<128xi32, #tpu.memory_space<vmem>>, vector<16xi32>,
      %get3A_481 = vector.shape_cast %get3A_480 : vector<16xi32> to vector<16xi32>
      %mul3A_482 = arith.constant 204800 : i32
      %mul3A_483 = arith.muli %scan3A_387, %mul3A_482 : i32
      %add3A_484 = vector.broadcast %mul3A_483 : i32 to vector<16xi32>
      %add3A_485 = arith.addi %get3A_481, %add3A_484 : vector<16xi32>
      %mul3A_486 = arith.constant 128 : i32
      %mul3A_487 = arith.muli %scan3A_387, %mul3A_486 : i32
      %add3A_488 = arith.constant 96 : i32
      %add3A_489 = arith.addi %mul3A_487, %add3A_488 : i32
      %swap3A_490 = arith.index_cast %add3A_489 : i32 to index
      %swap3A_491 = tpu.vector_load %arg17[%swap3A_490] {strides = array<i32>} : memref<5760xi32, #tpu.memory_space<vmem>>, vector<16xi32>,
      %swap3A_492 = vector.shape_cast %swap3A_491 : vector<16xi32> to vector<16xi32>
      %swap3A_493 = vector.shape_cast %add3A_485 : vector<16xi32> to vector<16xi32>
      tpu.vector_store %arg17[%swap3A_490], %swap3A_493 {strides = array<i32>} : memref<5760xi32, #tpu.memory_space<vmem>>, vector<16xi32>,
      %get3A_494 = arith.constant 112 : index
      %get3A_495 = tpu.vector_load %arg14[%get3A_494] {strides = array<i32>} : memref<128xi32, #tpu.memory_space<vmem>>, vector<16xi32>,
      %get3A_496 = vector.shape_cast %get3A_495 : vector<16xi32> to vector<16xi32>
      %mul3A_497 = arith.constant 204800 : i32
      %mul3A_498 = arith.muli %scan3A_387, %mul3A_497 : i32
      %add3A_499 = vector.broadcast %mul3A_498 : i32 to vector<16xi32>
      %add3A_500 = arith.addi %get3A_496, %add3A_499 : vector<16xi32>
      %mul3A_501 = arith.constant 128 : i32
      %mul3A_502 = arith.muli %scan3A_387, %mul3A_501 : i32
      %add3A_503 = arith.constant 112 : i32
      %add3A_504 = arith.addi %mul3A_502, %add3A_503 : i32
      %swap3A_505 = arith.index_cast %add3A_504 : i32 to index
      %swap3A_506 = tpu.vector_load %arg17[%swap3A_505] {strides = array<i32>} : memref<5760xi32, #tpu.memory_space<vmem>>, vector<16xi32>,
      %swap3A_507 = vector.shape_cast %swap3A_506 : vector<16xi32> to vector<16xi32>
      %swap3A_508 = vector.shape_cast %add3A_500 : vector<16xi32> to vector<16xi32>
      tpu.vector_store %arg17[%swap3A_505], %swap3A_508 {strides = array<i32>} : memref<5760xi32, #tpu.memory_space<vmem>>, vector<16xi32>,
      %scan3A_509 = arith.constant 0 : i32
      scf.yield %scan3A_509 : i32
    }
    %scan3A_354 = arith.constant 45 : i32
    %mul3A_355 = arith.constant 45 : i32
    %mul3A_356 = arith.muli %add3A, %mul3A_355 : i32
    %mul3A_357 = arith.constant 128 : i32
    %mul3A_358 = arith.muli %mul3A_356, %mul3A_357 : i32
    "tpu.region"() ({
      %run_scoped3A = tpu.sem_alloc : memref<!tpu.dma_semaphore, #tpu.memory_space<semaphore_mem>>
      %dma_start3A_387 = tpu.memref_slice %arg9[%mul3A_358] : memref<184320xi32, #tpu.memory_space<hbm>> -> memref<5760xi32, #tpu.memory_space<hbm>>
      %dma_start3A_388 = tpu.memref_slice %arg9[%mul3A_358] : memref<184320xi32, #tpu.memory_space<hbm>> -> memref<5760xi32, #tpu.memory_space<hbm>>
      tpu.enqueue_dma source(%arg17 : memref<5760xi32, #tpu.memory_space<vmem>>) target(%dma_start3A_388 : memref<5760xi32, #tpu.memory_space<hbm>>) target_semaphore(%run_scoped3A : memref<!tpu.dma_semaphore, #tpu.memory_space<semaphore_mem>>)
      %dma_wait3A_389 = tpu.memref_slice %arg9[%mul3A_358] : memref<184320xi32, #tpu.memory_space<hbm>> -> memref<5760xi32, #tpu.memory_space<hbm>>
      %dma_wait3A_390 = tpu.memref_slice %arg9[%mul3A_358] : memref<184320xi32, #tpu.memory_space<hbm>> -> memref<5760xi32, #tpu.memory_space<hbm>>
      tpu.wait_dma2 semaphore(%run_scoped3A : memref<!tpu.dma_semaphore, #tpu.memory_space<semaphore_mem>>) src(%arg17 : memref<5760xi32, #tpu.memory_space<vmem>>) dst(%dma_wait3A_390 : memref<5760xi32, #tpu.memory_space<hbm>>)
      tpu.yield
    }) : () -> ()
    %dma_start3A_359 = arith.constant 0 : i32
    %dma_start3A_360 = tpu.memref_slice %arg18[%dma_start3A_359] : memref<15104xf32, #tpu.memory_space<vmem>> -> memref<7680xf32, #tpu.memory_space<vmem>>
    %dma_start3A_361 = arith.constant 0 : i32
    %dma_start3A_362 = tpu.memref_slice %arg5[%dma_start3A_361] : memref<12288000xf32, #tpu.memory_space<hbm>> -> memref<12288000xf32, #tpu.memory_space<hbm>>
    tpu.enqueue_indirect_dma source(%dma_start3A_362 : memref<12288000xf32, #tpu.memory_space<hbm>>) target(%dma_start3A_360 : memref<7680xf32, #tpu.memory_space<vmem>>) offsets(%arg15 : memref<7680xi32, #tpu.memory_space<vmem>>) semaphore(%arg19 : memref<!tpu.dma_semaphore, #tpu.memory_space<semaphore_mem>>)
    %dma_start3A_363 = arith.constant 7680 : i32
    %dma_start3A_364 = tpu.memref_slice %arg18[%dma_start3A_363] : memref<15104xf32, #tpu.memory_space<vmem>> -> memref<3712xf32, #tpu.memory_space<vmem>>
    %dma_start3A_365 = arith.constant 0 : i32
    %dma_start3A_366 = tpu.memref_slice %arg6[%dma_start3A_365] : memref<5939200xf32, #tpu.memory_space<hbm>> -> memref<5939200xf32, #tpu.memory_space<hbm>>
    tpu.enqueue_indirect_dma source(%dma_start3A_366 : memref<5939200xf32, #tpu.memory_space<hbm>>) target(%dma_start3A_364 : memref<3712xf32, #tpu.memory_space<vmem>>) offsets(%arg16 : memref<3712xi32, #tpu.memory_space<vmem>>) semaphore(%arg19 : memref<!tpu.dma_semaphore, #tpu.memory_space<semaphore_mem>>)
    %dma_start3A_367 = arith.constant 11392 : i32
    %dma_start3A_368 = tpu.memref_slice %arg18[%dma_start3A_367] : memref<15104xf32, #tpu.memory_space<vmem>> -> memref<3712xf32, #tpu.memory_space<vmem>>
    %dma_start3A_369 = arith.constant 0 : i32
    %dma_start3A_370 = tpu.memref_slice %arg7[%dma_start3A_369] : memref<5939200xf32, #tpu.memory_space<hbm>> -> memref<5939200xf32, #tpu.memory_space<hbm>>
    tpu.enqueue_indirect_dma source(%dma_start3A_370 : memref<5939200xf32, #tpu.memory_space<hbm>>) target(%dma_start3A_368 : memref<3712xf32, #tpu.memory_space<vmem>>) offsets(%arg16 : memref<3712xi32, #tpu.memory_space<vmem>>) semaphore(%arg19 : memref<!tpu.dma_semaphore, #tpu.memory_space<semaphore_mem>>)
    %dma_wait3A_371 = arith.constant 0 : i32
    %dma_wait3A_372 = tpu.memref_slice %arg18[%dma_wait3A_371] : memref<15104xf32, #tpu.memory_space<vmem>> -> memref<7680xf32, #tpu.memory_space<vmem>>
    %dma_wait3A_373 = arith.constant 0 : i32
    %dma_wait3A_374 = tpu.memref_slice %arg5[%dma_wait3A_373] : memref<12288000xf32, #tpu.memory_space<hbm>> -> memref<12288000xf32, #tpu.memory_space<hbm>>
    tpu.wait_indirect_dma semaphore(%arg19 : memref<!tpu.dma_semaphore, #tpu.memory_space<semaphore_mem>>) src(%dma_wait3A_374 : memref<12288000xf32, #tpu.memory_space<hbm>>) dst(%dma_wait3A_372 : memref<7680xf32, #tpu.memory_space<vmem>>)
    %dma_wait3A_375 = arith.constant 7680 : i32
    %dma_wait3A_376 = tpu.memref_slice %arg18[%dma_wait3A_375] : memref<15104xf32, #tpu.memory_space<vmem>> -> memref<3712xf32, #tpu.memory_space<vmem>>
    %dma_wait3A_377 = arith.constant 0 : i32
    %dma_wait3A_378 = tpu.memref_slice %arg6[%dma_wait3A_377] : memref<5939200xf32, #tpu.memory_space<hbm>> -> memref<5939200xf32, #tpu.memory_space<hbm>>
    tpu.wait_indirect_dma semaphore(%arg19 : memref<!tpu.dma_semaphore, #tpu.memory_space<semaphore_mem>>) src(%dma_wait3A_378 : memref<5939200xf32, #tpu.memory_space<hbm>>) dst(%dma_wait3A_376 : memref<3712xf32, #tpu.memory_space<vmem>>)
    %dma_wait3A_379 = arith.constant 11392 : i32
    %dma_wait3A_380 = tpu.memref_slice %arg18[%dma_wait3A_379] : memref<15104xf32, #tpu.memory_space<vmem>> -> memref<3712xf32, #tpu.memory_space<vmem>>
    %dma_wait3A_381 = arith.constant 0 : i32
    %dma_wait3A_382 = tpu.memref_slice %arg7[%dma_wait3A_381] : memref<5939200xf32, #tpu.memory_space<hbm>> -> memref<5939200xf32, #tpu.memory_space<hbm>>
    tpu.wait_indirect_dma semaphore(%arg19 : memref<!tpu.dma_semaphore, #tpu.memory_space<semaphore_mem>>) src(%dma_wait3A_382 : memref<5939200xf32, #tpu.memory_space<hbm>>) dst(%dma_wait3A_380 : memref<3712xf32, #tpu.memory_space<vmem>>)
    %mul3A_383 = arith.constant 118 : i32
    %mul3A_384 = arith.muli %add3A, %mul3A_383 : i32
    %mul3A_385 = arith.constant 128 : i32
    %mul3A_386 = arith.muli %mul3A_384, %mul3A_385 : i32
    "tpu.region"() ({
      %run_scoped3A = tpu.sem_alloc : memref<!tpu.dma_semaphore, #tpu.memory_space<semaphore_mem>>
      %dma_start3A_387 = tpu.memref_slice %arg8[%mul3A_386] : memref<483328xf32, #tpu.memory_space<hbm>> -> memref<15104xf32, #tpu.memory_space<hbm>>
      %dma_start3A_388 = tpu.memref_slice %arg8[%mul3A_386] : memref<483328xf32, #tpu.memory_space<hbm>> -> memref<15104xf32, #tpu.memory_space<hbm>>
      tpu.enqueue_dma source(%arg18 : memref<15104xf32, #tpu.memory_space<vmem>>) target(%dma_start3A_388 : memref<15104xf32, #tpu.memory_space<hbm>>) target_semaphore(%run_scoped3A : memref<!tpu.dma_semaphore, #tpu.memory_space<semaphore_mem>>)
      %dma_wait3A_389 = tpu.memref_slice %arg8[%mul3A_386] : memref<483328xf32, #tpu.memory_space<hbm>> -> memref<15104xf32, #tpu.memory_space<hbm>>
      %dma_wait3A_390 = tpu.memref_slice %arg8[%mul3A_386] : memref<483328xf32, #tpu.memory_space<hbm>> -> memref<15104xf32, #tpu.memory_space<hbm>>
      tpu.wait_dma2 semaphore(%run_scoped3A : memref<!tpu.dma_semaphore, #tpu.memory_space<semaphore_mem>>) src(%arg18 : memref<15104xf32, #tpu.memory_space<vmem>>) dst(%dma_wait3A_390 : memref<15104xf32, #tpu.memory_space<hbm>>)
      tpu.yield
    }) : () -> ()
    return
  }
}

#map = affine_map<(d0, d1) -> (0)>
module attributes {stable_mosaic.version = 14 : i64} {
  func.func @k(%arg0: i32, %arg1: i32, %arg2: memref<184320xi32, #tpu.memory_space<hbm>>, %arg3: memref<9216000xf32, #tpu.memory_space<hbm>>, %arg4: memref<9216000xf32, #tpu.memory_space<hbm>>, %arg5: memref<9216000xf32, #tpu.memory_space<hbm>>, %arg6: memref<552960xf32, #tpu.memory_space<hbm>>, %arg7: memref<5760xi32, #tpu.memory_space<vmem>>, %arg8: memref<17280xf32, #tpu.memory_space<vmem>>, %arg9: memref<!tpu.dma_semaphore, #tpu.memory_space<semaphore_mem>>) attributes {dimension_semantics = [#tpu.dimension_semantics<core_parallel>, #tpu.dimension_semantics<subcore_parallel>], iteration_bounds = array<i64: 2, 16>, scalar_prefetch = 0 : i64, scratch_operands = 3 : i64, tpu.core_type = #tpu.core_type<sc_vector_subcore>, window_params = [{transform_indices = #map}, {transform_indices = #map}, {transform_indices = #map}, {transform_indices = #map}, {transform_indices = #map}]} {
    %mul3A = arith.constant 2 : i32
    %mul3A_0 = arith.muli %arg1, %mul3A : i32
    %add3A = arith.addi %mul3A_0, %arg0 : i32
    %mul3A_1 = arith.constant 5760 : i32
    %mul3A_2 = arith.muli %add3A, %mul3A_1 : i32
    "tpu.region"() ({
      %run_scoped3A = tpu.sem_alloc : memref<!tpu.dma_semaphore, #tpu.memory_space<semaphore_mem>>
      %dma_start3A_29 = tpu.memref_slice %arg2[%mul3A_2] : memref<184320xi32, #tpu.memory_space<hbm>> -> memref<5760xi32, #tpu.memory_space<hbm>>
      %dma_start3A_30 = tpu.memref_slice %arg2[%mul3A_2] : memref<184320xi32, #tpu.memory_space<hbm>> -> memref<5760xi32, #tpu.memory_space<hbm>>
      tpu.enqueue_dma source(%dma_start3A_30 : memref<5760xi32, #tpu.memory_space<hbm>>) target(%arg7 : memref<5760xi32, #tpu.memory_space<vmem>>) target_semaphore(%run_scoped3A : memref<!tpu.dma_semaphore, #tpu.memory_space<semaphore_mem>>)
      %dma_wait3A_31 = tpu.memref_slice %arg2[%mul3A_2] : memref<184320xi32, #tpu.memory_space<hbm>> -> memref<5760xi32, #tpu.memory_space<hbm>>
      %dma_wait3A_32 = tpu.memref_slice %arg2[%mul3A_2] : memref<184320xi32, #tpu.memory_space<hbm>> -> memref<5760xi32, #tpu.memory_space<hbm>>
      tpu.wait_dma2 semaphore(%run_scoped3A : memref<!tpu.dma_semaphore, #tpu.memory_space<semaphore_mem>>) src(%dma_wait3A_32 : memref<5760xi32, #tpu.memory_space<hbm>>) dst(%arg7 : memref<5760xi32, #tpu.memory_space<vmem>>)
      tpu.yield
    }) : () -> ()
    %dma_start3A = arith.constant 0 : i32
    %dma_start3A_3 = tpu.memref_slice %arg8[%dma_start3A] : memref<17280xf32, #tpu.memory_space<vmem>> -> memref<5760xf32, #tpu.memory_space<vmem>>
    %dma_start3A_4 = arith.constant 0 : i32
    %dma_start3A_5 = tpu.memref_slice %arg3[%dma_start3A_4] : memref<9216000xf32, #tpu.memory_space<hbm>> -> memref<9216000xf32, #tpu.memory_space<hbm>>
    tpu.enqueue_indirect_dma source(%dma_start3A_5 : memref<9216000xf32, #tpu.memory_space<hbm>>) target(%dma_start3A_3 : memref<5760xf32, #tpu.memory_space<vmem>>) offsets(%arg7 : memref<5760xi32, #tpu.memory_space<vmem>>) semaphore(%arg9 : memref<!tpu.dma_semaphore, #tpu.memory_space<semaphore_mem>>)
    %dma_start3A_6 = arith.constant 5760 : i32
    %dma_start3A_7 = tpu.memref_slice %arg8[%dma_start3A_6] : memref<17280xf32, #tpu.memory_space<vmem>> -> memref<5760xf32, #tpu.memory_space<vmem>>
    %dma_start3A_8 = arith.constant 0 : i32
    %dma_start3A_9 = tpu.memref_slice %arg4[%dma_start3A_8] : memref<9216000xf32, #tpu.memory_space<hbm>> -> memref<9216000xf32, #tpu.memory_space<hbm>>
    tpu.enqueue_indirect_dma source(%dma_start3A_9 : memref<9216000xf32, #tpu.memory_space<hbm>>) target(%dma_start3A_7 : memref<5760xf32, #tpu.memory_space<vmem>>) offsets(%arg7 : memref<5760xi32, #tpu.memory_space<vmem>>) semaphore(%arg9 : memref<!tpu.dma_semaphore, #tpu.memory_space<semaphore_mem>>)
    %dma_start3A_10 = arith.constant 11520 : i32
    %dma_start3A_11 = tpu.memref_slice %arg8[%dma_start3A_10] : memref<17280xf32, #tpu.memory_space<vmem>> -> memref<5760xf32, #tpu.memory_space<vmem>>
    %dma_start3A_12 = arith.constant 0 : i32
    %dma_start3A_13 = tpu.memref_slice %arg5[%dma_start3A_12] : memref<9216000xf32, #tpu.memory_space<hbm>> -> memref<9216000xf32, #tpu.memory_space<hbm>>
    tpu.enqueue_indirect_dma source(%dma_start3A_13 : memref<9216000xf32, #tpu.memory_space<hbm>>) target(%dma_start3A_11 : memref<5760xf32, #tpu.memory_space<vmem>>) offsets(%arg7 : memref<5760xi32, #tpu.memory_space<vmem>>) semaphore(%arg9 : memref<!tpu.dma_semaphore, #tpu.memory_space<semaphore_mem>>)
    %dma_wait3A = arith.constant 0 : i32
    %dma_wait3A_14 = tpu.memref_slice %arg8[%dma_wait3A] : memref<17280xf32, #tpu.memory_space<vmem>> -> memref<5760xf32, #tpu.memory_space<vmem>>
    %dma_wait3A_15 = arith.constant 0 : i32
    %dma_wait3A_16 = tpu.memref_slice %arg3[%dma_wait3A_15] : memref<9216000xf32, #tpu.memory_space<hbm>> -> memref<9216000xf32, #tpu.memory_space<hbm>>
    tpu.wait_indirect_dma semaphore(%arg9 : memref<!tpu.dma_semaphore, #tpu.memory_space<semaphore_mem>>) src(%dma_wait3A_16 : memref<9216000xf32, #tpu.memory_space<hbm>>) dst(%dma_wait3A_14 : memref<5760xf32, #tpu.memory_space<vmem>>)
    %dma_wait3A_17 = arith.constant 5760 : i32
    %dma_wait3A_18 = tpu.memref_slice %arg8[%dma_wait3A_17] : memref<17280xf32, #tpu.memory_space<vmem>> -> memref<5760xf32, #tpu.memory_space<vmem>>
    %dma_wait3A_19 = arith.constant 0 : i32
    %dma_wait3A_20 = tpu.memref_slice %arg4[%dma_wait3A_19] : memref<9216000xf32, #tpu.memory_space<hbm>> -> memref<9216000xf32, #tpu.memory_space<hbm>>
    tpu.wait_indirect_dma semaphore(%arg9 : memref<!tpu.dma_semaphore, #tpu.memory_space<semaphore_mem>>) src(%dma_wait3A_20 : memref<9216000xf32, #tpu.memory_space<hbm>>) dst(%dma_wait3A_18 : memref<5760xf32, #tpu.memory_space<vmem>>)
    %dma_wait3A_21 = arith.constant 11520 : i32
    %dma_wait3A_22 = tpu.memref_slice %arg8[%dma_wait3A_21] : memref<17280xf32, #tpu.memory_space<vmem>> -> memref<5760xf32, #tpu.memory_space<vmem>>
    %dma_wait3A_23 = arith.constant 0 : i32
    %dma_wait3A_24 = tpu.memref_slice %arg5[%dma_wait3A_23] : memref<9216000xf32, #tpu.memory_space<hbm>> -> memref<9216000xf32, #tpu.memory_space<hbm>>
    tpu.wait_indirect_dma semaphore(%arg9 : memref<!tpu.dma_semaphore, #tpu.memory_space<semaphore_mem>>) src(%dma_wait3A_24 : memref<9216000xf32, #tpu.memory_space<hbm>>) dst(%dma_wait3A_22 : memref<5760xf32, #tpu.memory_space<vmem>>)
    %mul3A_25 = arith.constant 135 : i32
    %mul3A_26 = arith.muli %add3A, %mul3A_25 : i32
    %mul3A_27 = arith.constant 128 : i32
    %mul3A_28 = arith.muli %mul3A_26, %mul3A_27 : i32
    "tpu.region"() ({
      %run_scoped3A = tpu.sem_alloc : memref<!tpu.dma_semaphore, #tpu.memory_space<semaphore_mem>>
      %dma_start3A_29 = tpu.memref_slice %arg6[%mul3A_28] : memref<552960xf32, #tpu.memory_space<hbm>> -> memref<17280xf32, #tpu.memory_space<hbm>>
      %dma_start3A_30 = tpu.memref_slice %arg6[%mul3A_28] : memref<552960xf32, #tpu.memory_space<hbm>> -> memref<17280xf32, #tpu.memory_space<hbm>>
      tpu.enqueue_dma source(%arg8 : memref<17280xf32, #tpu.memory_space<vmem>>) target(%dma_start3A_30 : memref<17280xf32, #tpu.memory_space<hbm>>) target_semaphore(%run_scoped3A : memref<!tpu.dma_semaphore, #tpu.memory_space<semaphore_mem>>)
      %dma_wait3A_31 = tpu.memref_slice %arg6[%mul3A_28] : memref<552960xf32, #tpu.memory_space<hbm>> -> memref<17280xf32, #tpu.memory_space<hbm>>
      %dma_wait3A_32 = tpu.memref_slice %arg6[%mul3A_28] : memref<552960xf32, #tpu.memory_space<hbm>> -> memref<17280xf32, #tpu.memory_space<hbm>>
      tpu.wait_dma2 semaphore(%run_scoped3A : memref<!tpu.dma_semaphore, #tpu.memory_space<semaphore_mem>>) src(%arg8 : memref<17280xf32, #tpu.memory_space<vmem>>) dst(%dma_wait3A_32 : memref<17280xf32, #tpu.memory_space<hbm>>)
      tpu.yield
    }) : () -> ()
    return
  }
}

module attributes {stable_mosaic.version = 14 : i64} {
  func.func @_mlp_body(%arg0: i32, %arg1: memref<512x123xf32, #tpu.memory_space<vmem>>, %arg2: memref<123x512xf32, #tpu.memory_space<vmem>>, %arg3: memref<1x512xf32, #tpu.memory_space<vmem>>, %arg4: memref<512x256xf32, #tpu.memory_space<vmem>>, %arg5: memref<1x256xf32, #tpu.memory_space<vmem>>, %arg6: memref<256x128xf32, #tpu.memory_space<vmem>>, %arg7: memref<1x128xf32, #tpu.memory_space<vmem>>, %arg8: memref<128x29xf32, #tpu.memory_space<vmem>>, %arg9: memref<1x29xf32, #tpu.memory_space<vmem>>, %arg10: memref<512x29xf32, #tpu.memory_space<vmem>>) attributes {dimension_semantics = [#tpu.dimension_semantics<arbitrary>], iteration_bounds = array<i64: 8>, scalar_prefetch = 0 : i64, scratch_operands = 0 : i64, tpu.core_type = #tpu.core_type<tc>, window_params = [{transform_indices = @transform_0, window_bounds = array<i64: 512, 123>}, {pipeline_mode = #tpu.pipeline_mode<synchronous>, transform_indices = @transform_1, window_bounds = array<i64: 123, 512>}, {pipeline_mode = #tpu.pipeline_mode<synchronous>, transform_indices = @transform_2, window_bounds = array<i64: 1, 512>}, {pipeline_mode = #tpu.pipeline_mode<synchronous>, transform_indices = @transform_3, window_bounds = array<i64: 512, 256>}, {pipeline_mode = #tpu.pipeline_mode<synchronous>, transform_indices = @transform_4, window_bounds = array<i64: 1, 256>}, {pipeline_mode = #tpu.pipeline_mode<synchronous>, transform_indices = @transform_5, window_bounds = array<i64: 256, 128>}, {pipeline_mode = #tpu.pipeline_mode<synchronous>, transform_indices = @transform_6, window_bounds = array<i64: 1, 128>}, {pipeline_mode = #tpu.pipeline_mode<synchronous>, transform_indices = @transform_7, window_bounds = array<i64: 128, 29>}, {pipeline_mode = #tpu.pipeline_mode<synchronous>, transform_indices = @transform_8, window_bounds = array<i64: 1, 29>}, {transform_indices = @transform_9, window_bounds = array<i64: 512, 29>}]} {
    %get3A = arith.constant 0 : index
    %get3A_0 = arith.constant 0 : index
    %get3A_1 = vector.load %arg1[%get3A, %get3A_0] : memref<512x123xf32, #tpu.memory_space<vmem>>, vector<512x123xf32>
    %get3A_2 = arith.constant 0 : index
    %get3A_3 = arith.constant 0 : index
    %get3A_4 = vector.load %arg2[%get3A_2, %get3A_3] : memref<123x512xf32, #tpu.memory_space<vmem>>, vector<123x512xf32>
    %dot_general3A = arith.constant dense<0.000000e+00> : vector<512x512xf32>
    %dot_general3A_5 = tpu.matmul %get3A_1, %get3A_4, %dot_general3A {dimension_numbers = #tpu.dot_dimension_numbers<[1], [0], [0], [1], [0, 0, 1, 1], [], []>, transpose_lhs_hint = false} : vector<512x123xf32>, vector<123x512xf32>, vector<512x512xf32> -> vector<512x512xf32>
    %get3A_6 = arith.constant 0 : index
    %get3A_7 = arith.constant 0 : index
    %get3A_8 = vector.load %arg3[%get3A_6, %get3A_7] : memref<1x512xf32, #tpu.memory_space<vmem>>, vector<1x512xf32>
    %add3A = vector.broadcast %get3A_8 : vector<1x512xf32> to vector<512x512xf32>
    %add3A_9 = arith.addf %dot_general3A_5, %add3A : vector<512x512xf32>
    %gt3A = arith.constant 0.000000e+00 : f32
    %gt3A_10 = vector.broadcast %gt3A : f32 to vector<512x512xf32>
    %gt3A_11 = arith.cmpf ogt, %add3A_9, %gt3A_10 : vector<512x512xf32>
    %min3A = arith.constant 0.000000e+00 : f32
    %min3A_12 = vector.broadcast %min3A : f32 to vector<512x512xf32>
    %min3A_13 = arith.minimumf %add3A_9, %min3A_12 : vector<512x512xf32>
    %exp3A = math.exp %min3A_13 : vector<512x512xf32>
    %sub3A = arith.constant 1.000000e+00 : f32
    %sub3A_14 = vector.broadcast %sub3A : f32 to vector<512x512xf32>
    %sub3A_15 = arith.subf %exp3A, %sub3A_14 : vector<512x512xf32>
    %select_n3A = arith.select %gt3A_11, %add3A_9, %sub3A_15 : vector<512x512xi1>, vector<512x512xf32>
    %get3A_16 = arith.constant 0 : index
    %get3A_17 = arith.constant 0 : index
    %get3A_18 = vector.load %arg4[%get3A_16, %get3A_17] : memref<512x256xf32, #tpu.memory_space<vmem>>, vector<512x256xf32>
    %dot_general3A_19 = arith.constant dense<0.000000e+00> : vector<512x256xf32>
    %dot_general3A_20 = tpu.matmul %select_n3A, %get3A_18, %dot_general3A_19 {dimension_numbers = #tpu.dot_dimension_numbers<[1], [0], [0], [1], [0, 0, 1, 1], [], []>, transpose_lhs_hint = false} : vector<512x512xf32>, vector<512x256xf32>, vector<512x256xf32> -> vector<512x256xf32>
    %get3A_21 = arith.constant 0 : index
    %get3A_22 = arith.constant 0 : index
    %get3A_23 = vector.load %arg5[%get3A_21, %get3A_22] : memref<1x256xf32, #tpu.memory_space<vmem>>, vector<1x256xf32>
    %add3A_24 = vector.broadcast %get3A_23 : vector<1x256xf32> to vector<512x256xf32>
    %add3A_25 = arith.addf %dot_general3A_20, %add3A_24 : vector<512x256xf32>
    %gt3A_26 = arith.constant 0.000000e+00 : f32
    %gt3A_27 = vector.broadcast %gt3A_26 : f32 to vector<512x256xf32>
    %gt3A_28 = arith.cmpf ogt, %add3A_25, %gt3A_27 : vector<512x256xf32>
    %min3A_29 = arith.constant 0.000000e+00 : f32
    %min3A_30 = vector.broadcast %min3A_29 : f32 to vector<512x256xf32>
    %min3A_31 = arith.minimumf %add3A_25, %min3A_30 : vector<512x256xf32>
    %exp3A_32 = math.exp %min3A_31 : vector<512x256xf32>
    %sub3A_33 = arith.constant 1.000000e+00 : f32
    %sub3A_34 = vector.broadcast %sub3A_33 : f32 to vector<512x256xf32>
    %sub3A_35 = arith.subf %exp3A_32, %sub3A_34 : vector<512x256xf32>
    %select_n3A_36 = arith.select %gt3A_28, %add3A_25, %sub3A_35 : vector<512x256xi1>, vector<512x256xf32>
    %get3A_37 = arith.constant 0 : index
    %get3A_38 = arith.constant 0 : index
    %get3A_39 = vector.load %arg6[%get3A_37, %get3A_38] : memref<256x128xf32, #tpu.memory_space<vmem>>, vector<256x128xf32>
    %dot_general3A_40 = arith.constant dense<0.000000e+00> : vector<512x128xf32>
    %dot_general3A_41 = tpu.matmul %select_n3A_36, %get3A_39, %dot_general3A_40 {dimension_numbers = #tpu.dot_dimension_numbers<[1], [0], [0], [1], [0, 0, 1, 1], [], []>, transpose_lhs_hint = false} : vector<512x256xf32>, vector<256x128xf32>, vector<512x128xf32> -> vector<512x128xf32>
    %get3A_42 = arith.constant 0 : index
    %get3A_43 = arith.constant 0 : index
    %get3A_44 = vector.load %arg7[%get3A_42, %get3A_43] : memref<1x128xf32, #tpu.memory_space<vmem>>, vector<1x128xf32>
    %add3A_45 = vector.broadcast %get3A_44 : vector<1x128xf32> to vector<512x128xf32>
    %add3A_46 = arith.addf %dot_general3A_41, %add3A_45 : vector<512x128xf32>
    %gt3A_47 = arith.constant 0.000000e+00 : f32
    %gt3A_48 = vector.broadcast %gt3A_47 : f32 to vector<512x128xf32>
    %gt3A_49 = arith.cmpf ogt, %add3A_46, %gt3A_48 : vector<512x128xf32>
    %min3A_50 = arith.constant 0.000000e+00 : f32
    %min3A_51 = vector.broadcast %min3A_50 : f32 to vector<512x128xf32>
    %min3A_52 = arith.minimumf %add3A_46, %min3A_51 : vector<512x128xf32>
    %exp3A_53 = math.exp %min3A_52 : vector<512x128xf32>
    %sub3A_54 = arith.constant 1.000000e+00 : f32
    %sub3A_55 = vector.broadcast %sub3A_54 : f32 to vector<512x128xf32>
    %sub3A_56 = arith.subf %exp3A_53, %sub3A_55 : vector<512x128xf32>
    %select_n3A_57 = arith.select %gt3A_49, %add3A_46, %sub3A_56 : vector<512x128xi1>, vector<512x128xf32>
    %get3A_58 = arith.constant 0 : index
    %get3A_59 = arith.constant 0 : index
    %get3A_60 = vector.load %arg8[%get3A_58, %get3A_59] : memref<128x29xf32, #tpu.memory_space<vmem>>, vector<128x29xf32>
    %dot_general3A_61 = arith.constant dense<0.000000e+00> : vector<512x29xf32>
    %dot_general3A_62 = tpu.matmul %select_n3A_57, %get3A_60, %dot_general3A_61 {dimension_numbers = #tpu.dot_dimension_numbers<[1], [0], [0], [1], [0, 0, 1, 1], [], []>, transpose_lhs_hint = false} : vector<512x128xf32>, vector<128x29xf32>, vector<512x29xf32> -> vector<512x29xf32>
    %get3A_63 = arith.constant 0 : index
    %get3A_64 = arith.constant 0 : index
    %get3A_65 = vector.load %arg9[%get3A_63, %get3A_64] : memref<1x29xf32, #tpu.memory_space<vmem>>, vector<1x29xf32>
    %add3A_66 = vector.broadcast %get3A_65 : vector<1x29xf32> to vector<512x29xf32>
    %add3A_67 = arith.addf %dot_general3A_62, %add3A_66 : vector<512x29xf32>
    %swap3A = arith.constant 0 : index
    %swap3A_68 = arith.constant 0 : index
    %swap3A_69 = vector.load %arg10[%swap3A, %swap3A_68] : memref<512x29xf32, #tpu.memory_space<vmem>>, vector<512x29xf32>
    tpu.vector_store %arg10[%swap3A, %swap3A_68], %add3A_67 {strides = array<i32>} : memref<512x29xf32, #tpu.memory_space<vmem>>, vector<512x29xf32>,
    return
  }
  func.func @transform_0(%arg0: i32) -> (i32, i32) {
    %c0_i32 = arith.constant 0 : i32
    %c0_i32_0 = arith.constant 0 : i32
    return %arg0, %c0_i32 : i32, i32
  }
  func.func @transform_1(%arg0: i32) -> (i32, i32) {
    %c0_i32 = arith.constant 0 : i32
    %c0_i32_0 = arith.constant 0 : i32
    %c0_i32_1 = arith.constant 0 : i32
    return %c0_i32, %c0_i32_0 : i32, i32
  }
  func.func @transform_2(%arg0: i32) -> (i32, i32) {
    %c0_i32 = arith.constant 0 : i32
    %c0_i32_0 = arith.constant 0 : i32
    %c0_i32_1 = arith.constant 0 : i32
    return %c0_i32, %c0_i32_0 : i32, i32
  }
  func.func @transform_3(%arg0: i32) -> (i32, i32) {
    %c0_i32 = arith.constant 0 : i32
    %c0_i32_0 = arith.constant 0 : i32
    %c0_i32_1 = arith.constant 0 : i32
    return %c0_i32, %c0_i32_0 : i32, i32
  }
  func.func @transform_4(%arg0: i32) -> (i32, i32) {
    %c0_i32 = arith.constant 0 : i32
    %c0_i32_0 = arith.constant 0 : i32
    %c0_i32_1 = arith.constant 0 : i32
    return %c0_i32, %c0_i32_0 : i32, i32
  }
  func.func @transform_5(%arg0: i32) -> (i32, i32) {
    %c0_i32 = arith.constant 0 : i32
    %c0_i32_0 = arith.constant 0 : i32
    %c0_i32_1 = arith.constant 0 : i32
    return %c0_i32, %c0_i32_0 : i32, i32
  }
  func.func @transform_6(%arg0: i32) -> (i32, i32) {
    %c0_i32 = arith.constant 0 : i32
    %c0_i32_0 = arith.constant 0 : i32
    %c0_i32_1 = arith.constant 0 : i32
    return %c0_i32, %c0_i32_0 : i32, i32
  }
  func.func @transform_7(%arg0: i32) -> (i32, i32) {
    %c0_i32 = arith.constant 0 : i32
    %c0_i32_0 = arith.constant 0 : i32
    %c0_i32_1 = arith.constant 0 : i32
    return %c0_i32, %c0_i32_0 : i32, i32
  }
  func.func @transform_8(%arg0: i32) -> (i32, i32) {
    %c0_i32 = arith.constant 0 : i32
    %c0_i32_0 = arith.constant 0 : i32
    %c0_i32_1 = arith.constant 0 : i32
    return %c0_i32, %c0_i32_0 : i32, i32
  }
  func.func @transform_9(%arg0: i32) -> (i32, i32) {
    %c0_i32 = arith.constant 0 : i32
    %c0_i32_0 = arith.constant 0 : i32
    return %arg0, %c0_i32 : i32, i32
  }
}

</mosaic_0001>

<sc_bundles>
// kernel: kernel.5.cloned.1.call-start
scs
__scs_entry_jumppad:
0x0: {  	(pc) =	sbr.rel $0x88, $3  }
0x1: {  	(tag) =	ssettag $0x0;
	lr =	simm.s32 $0x1  }
0x2: {  	[smem:$0x3F8F] =	sst lr;
	_ =	strace $0xD0000000  }
0x3: {  	_ = 	snop  }
0x4: {  	_ = 	snop  }
0x5: {  	_ = 	snop  }
0x6: {  	_ = 	snop  }
0x7: {  	_ = 	snop  }
__scs_overlays_trampoline_lowered:
0x8: {  	[smem:$0x3F9E] =	sst s0  }
0x9: {  	[smem:$0x3F9F] =	sst s1  }
0xa: {  	[smem:$0x3FA0] =	sst s2  }
0xb: {  	[smem:$0x3FA1] =	sst s3  }
0xc: {  	[smem:$0x3FA2] =	sst s4  }
0xd: {  	[smem:$0x3FA3] =	sst s5  }
0xe: {  	[smem:$0x3FA4] =	sst s6  }
0xf: {  	[smem:$0x3FA5] =	sst s7  }
0x10: {  	[smem:$0x3FA6] =	sst s8  }
0x11: {  	[smem:$0x3FA7] =	sst s9;
	s0 =	simm.s32 @!p0 $0x0  }
0x12: {  	s1 =	sld [smem:$0x3F8D];
	s0 =	simm.s32 @p0 $0x1  }
0x13: {  	[smem:$0x3FA8] =	sst s0;
	s0 =	simm.s32 @!p1 $0x0  }
0x14: {  	s2 =	sld [smem:$0x3F8C];
	s0 =	simm.s32 @p1 $0x1  }
0x15: {  	[smem:$0x3FA9] =	sst s0;
	s0 =	simm.s32 @!p2 $0x0  }
0x16: {  	s3 =	sld [smem:$0x3FDB];
	s0 =	simm.s32 @p2 $0x1  }
0x17: {  	s4 =	simm.s32 $0x1BF5;
	[smem:$0x3FAB] =	sst s0  }
0x18: {  	s0 =	sld [smem:$0x3F8E];
	_ =	swait.ge [sflag:s4], $0x0  }
0x19: {  	s7 =	sld [smem:$0x3F8F]  }
0x1a: {  	s8 =	sadd.s32 $0xFFFFE003, lr  }
0x1b: {  	s9 =	sadd.s32 $0xFFFFFEF7, lr;
	s5 =	simm.s32 $0xFFFFFFFF;
	p2 =	slt.u32 s8, $0xFFFFF086  }
0x1c: {  	p1 =	slt.u32 s9, $0xF7A;
	s5 =	simm.s32 @!p2 $0x0  }
0x1d: {  	s5 =	simm.s32 @p1 $0x1;
	p0 =	seq.s32 s7, s2  }
0x1e: {  	s7 =	smul.u32 @!p0 $0xF7A, s2;
	p2 =	seq.s32 @!p0 s5, $0x0  }
0x1f: {  	s9 =	smul.u32 $0xF7A, s1;
	s8 =	simm.s32 @!p0 $0x1BF5;
	p2 =	por !p2, p0  }
0x20: {  	[sflag:s8] =	ssyncset.s32 @!p0 $0xFFFFF086;
	s6 =	sadd.s32 @!p0 s3, s7;
	s7 =	simm.s32 @!p0 $0x108  }
0x21: {  	s3 =	sadd.s32 s3, s9;
	s6 =	sadd.s32 @!p0 $0x88, s6;
	s7 =	simm.s32 @p2 $0x1082  }
0x22: {  	[simem:s7], [sflag:s8] =	dma.local @!p0 [hbm:s6], $0xF7A  }
0x23: {  	s9 =	sor.u32 $0xD0000000, s2;
	s6 =	simm.s32 $0x108;
	_ =	swait.ge @!p0 [sflag:s8], $0x0  }
0x24: {  	s3 =	sadd.s32 $0x88, s3;
	s6 =	simm.s32 @!p1 $0x1082;
	[sflag:s4] =	ssyncset.s32 $0xFFFFF086  }
0x25: {  	[simem:s6], [sflag:s4] =	dma.local [hbm:s3], $0xF7A  }
0x26: {  	[smem:$0x3F8F] =	sst s1;
	(tag) =	ssettag s2;
	_ =	strace s9  }
0x27: {  	s1 =	sld [smem:$0x3F9F]  }
0x28: {  	s2 =	sld [smem:$0x3FA0]  }
0x29: {  	s4 =	sld [smem:$0x3FA2]  }
0x2a: {  	p0 =	seq.s32 s5, $0x0;
	s5 =	sld [smem:$0x3FA3]  }
0x2b: {  	s6 =	sld [smem:$0x3FA4]  }
0x2c: {  	s7 =	sld [smem:$0x3FA5]  }
0x2d: {  	s3 =	simm.s32 $0x108;
	s8 =	sld [smem:$0x3FA6]  }
0x2e: {  	s3 =	simm.s32 @!p0 $0x1082;
	s9 =	sld [smem:$0x3FA7]  }
0x2f: {  	lr =	sadd.s32 s0, s3;
	s0 =	sld [smem:$0x3F9E]  }
0x30: {  	s3 =	sld [smem:$0x3FA1]  }
0x31: {  	[smem:$0x3FAA] =	sst s10  }
0x32: {  	s10 =	sld [smem:$0x3FA8];
	_ =	sdelay $0x3  }
0x33: {  	p0 =	seq.s32 s10, $0x1;
	s10 =	sld [smem:$0x3FAA];
	_ =	sdelay $0x3  }
0x34: {  	[smem:$0x3FAA] =	sst s10  }
0x35: {  	s10 =	sld [smem:$0x3FA9];
	_ =	sdelay $0x3  }
0x36: {  	p1 =	seq.s32 s10, $0x1;
	s10 =	sld [smem:$0x3FAA];
	_ =	sdelay $0x3  }
0x37: {  	[smem:$0x3FAA] =	sst s10  }
0x38: {  	s10 =	sld [smem:$0x3FAB]  }
0x39: {  	_ = 	snop;
	(pc) =	sbr.ind lr, $3  }
0x3a: {  	_ = 	snop  }
0x3b: {  	_ = 	snop  }
0x3c: {  	p2 =	seq.s32 s10, $0x1;
	s10 =	sld [smem:$0x3FAA]  }
0x3d: {  	_ =	shalt  }
0x3e: {  	_ =	shalt  }
0x3f: {  	_ =	shalt  }
0x40: {  	_ =	shalt  }
0x41: {  	_ =	shalt  }
0x42: {  	_ =	shalt  }
0x43: {  	_ =	shalt  }
0x44: {  	_ =	shalt  }
0x45: {  	_ =	shalt  }
0x46: {  	_ =	shalt  }
0x47: {  	_ =	shalt  }
0x48: {  	_ =	shalt  }
0x49: {  	_ =	shalt  }
0x4a: {  	_ =	shalt  }
0x4b: {  	_ =	shalt  }
0x4c: {  	_ =	shalt  }
0x4d: {  	_ =	shalt  }
0x4e: {  	_ =	shalt  }
0x4f: {  	_ =	shalt  }
0x50: {  	_ =	shalt  }
0x51: {  	_ =	shalt  }
0x52: {  	_ =	shalt  }
0x53: {  	_ =	shalt  }
0x54: {  	_ =	shalt  }
0x55: {  	_ =	shalt  }
0x56: {  	_ =	shalt  }
0x57: {  	_ =	shalt  }
0x58: {  	_ =	shalt  }
0x59: {  	_ =	shalt  }
0x5a: {  	_ =	shalt  }
0x5b: {  	_ =	shalt  }
0x5c: {  	_ =	shalt  }
0x5d: {  	_ =	shalt  }
0x5e: {  	_ =	shalt  }
0x5f: {  	_ =	shalt  }
0x60: {  	_ =	shalt  }
0x61: {  	_ =	shalt  }
0x62: {  	_ =	shalt  }
0x63: {  	_ =	shalt  }
0x64: {  	_ =	shalt  }
0x65: {  	_ =	shalt  }
0x66: {  	_ =	shalt  }
0x67: {  	_ =	shalt  }
0x68: {  	_ =	shalt  }
0x69: {  	_ =	shalt  }
0x6a: {  	_ =	shalt  }
0x6b: {  	_ =	shalt  }
0x6c: {  	_ =	shalt  }
0x6d: {  	_ =	shalt  }
0x6e: {  	_ =	shalt  }
0x6f: {  	_ =	shalt  }
0x70: {  	_ =	shalt  }
0x71: {  	_ =	shalt  }
0x72: {  	_ =	shalt  }
0x73: {  	_ =	shalt  }
0x74: {  	_ =	shalt  }
0x75: {  	_ =	shalt  }
0x76: {  	_ =	shalt  }
0x77: {  	_ =	shalt  }
0x78: {  	_ =	shalt  }
0x79: {  	_ =	shalt  }
0x7a: {  	_ =	shalt  }
0x7b: {  	_ =	shalt  }
0x7c: {  	_ =	shalt  }
0x7d: {  	_ =	shalt  }
0x7e: {  	_ =	shalt  }
0x7f: {  	_ =	shalt  }
0x80: {  	_ =	shalt  }
0x81: {  	_ =	shalt  }
0x82: {  	_ =	shalt  }
0x83: {  	_ =	shalt  }
0x84: {  	_ =	shalt  }
0x85: {  	_ =	shalt  }
0x86: {  	_ =	shalt  }
0x87: {  	_ =	shalt  }
.Lfunc_end0:
.L_simem_size_0:
called_computation_lowered:
.L_overlay_start_0:
0x88: {  	s2 =	sld [smem:$0x3FD9]  }
0x89: {  	s3 =	sld [smem:$0x3FFE];
	_ =	sdelay $0x1  }
0x8a: {  	s1 =	srdreg.scid  }
0x8b: {  	s0 =	sand.u32 $0x1, s1  }
0x8c: {  	s14 =	sshll.u32 s0, $0xA;
	s2 =	sadd.s32 s3, s2  }
0x8d: {  	s2 =	sadd.s32 s2, s14  }
0x8e: {  	[smem:$0x3FB6] =	sst s2  }
0x8f: {  	_ = 	snop  }
0x90: {  	s2 =	sld [smem:$0x3FC8]  }
0x91: {  	s15 =	sld [smem:$0x3FD0]  }
0x92: {  	s4 =	sld [smem:$0x3FC7]  }
0x93: {  	s5 =	sld [smem:$0x3FC3]  }
0x94: {  	s7 =	simm.s32 $0xA;
	s8 =	simm.s32 $0x10;
	s6 =	sld [smem:$0x3FC0]  }
0x95: {  	[smem:s8], [sflag:s7] =	dma.local [hbm:s15], $0x1  }
0x96: {  	_ =	swait.eq [sflag:s7], $0x1  }
0x97: {  	[sflag:s7] =	ssyncset.done $0x0  }
0x98: {  	[sflag:s7] =	ssyncadd.s32 $0xFFFFFFFF  }
0x99: {  	s16 =	sld [smem:$0x16];
	(tm) =	ssettm $0x1  }
0x9a: {  	s17 =	sld [smem:$0x3FFB];
	_ =	sdelay $0x3  }
0x9b: {  	_ =	strace s17  }
0x9c: {  	s7 =	sld [smem:$0x3FFC];
	_ =	sdelay $0x3  }
0x9d: {  	_ =	strace s7  }
0x9e: {  	s7 =	sld [smem:$0x3FFD];
	_ =	sdelay $0x3  }
0x9f: {  	_ =	strace s7  }
0xa0: {  	_ =	strace $0x8FFFFFFF  }
0xa1: {  	s18 =	sld [smem:$0x3FDB];
	_ =	sdelay $0x1  }
0xa2: {  	s19 =	simm.s32 $_scs_section_size  }
0xa3: {  	s9 =	simm.s32 $_size__tile_overlayer_lowered;
	s10 =	simm.s32 $_tile_overlayer_lowered  }
0xa4: {  	s22 =	simm.s32 $0x1BFF;
	s21 =	sshll.u32 s10, $0x1;
	s7 =	sadd.s32 s19, s18  }
0xa5: {  	s11 =	simm.s32 $0x0;
	s20 =	sshll.u32 s9, $0x1;
	s9 =	sadd.s32 s21, s7  }
0xa6: {  	[timem:s11], [sflag:s22] =	dma.local [hbm:s9], s20  }
0xa7: {  	_ =	swait.ge [sflag:s22], s20  }
0xa8: {  	s8 =	ssub.s32 $0x0, s20;
	[sflag:s22] =	ssyncset.done $0x0  }
0xa9: {  	[sflag:s22] =	ssyncadd.s32 s8;
	_ =	sdelay $0x1  }
0xaa: {  	s23 =	simm.s32 $0x1B8B  }
0xab: {  	_ =	swait.ge [sflag:s23], $0x1  }
0xac: {  	[sflag:s23] =	ssyncset.done $0x0  }
0xad: {  	s25 =	simm.s32 $0x1B8E;
	s24 =	sld [smem:$0x3FFE];
	[sflag:s23] =	ssyncadd.s32 $0xFFFFFFFF  }
0xae: {  	s26 =	simm.s32 $execute0_lowered;
	[smem:$0x3FD2] =	sst s25  }
0xaf: {  	s9 =	sshll.u32 s26, $0x1;
	_ =	strace $0x80000046;
	[dreg:$0x1] =	wrdreg $0xFFFFFFFF  }
0xb0: {  	s28 =	simm.s32 $_size_execute0_lowered;
	s7 =	sadd.s32 s7, s9;
	[dreg:$0x0] =	wrdreg $0x0  }
0xb1: {  	s9 =	sshll.u32 s28, $0x1;
	[dreg:$0x2] =	wrdreg s7  }
0xb2: {  	[dreg:$0x3] =	wrdreg s9  }
0xb3: {  	[dreg:$0x4] =	wrdreg $0xC0  }
0xb4: {  	_ =	task [dreg:s11], $0x5FFFF  }
0xb5: {  	[dreg:$0x1] =	wrdreg $0xFFFFFFFF  }
0xb6: {  	[dreg:$0x0] =	wrdreg $0x60  }
0xb7: {  	[dreg:$0x2] =	wrdreg s2  }
0xb8: {  	[dreg:$0x3] =	wrdreg s4  }
0xb9: {  	[dreg:$0x4] =	wrdreg s6  }
0xba: {  	[dreg:$0x5] =	wrdreg s5  }
0xbb: {  	[dreg:$0x6] =	wrdreg s24  }
0xbc: {  	[dreg:$0x7] =	wrdreg s16  }
0xbd: {  	[dreg:$0x8] =	wrdreg $0x9  }
0xbe: {  	_ =	task.clear_ibuf [dreg:s11], $0x9FFFF;
	_ =	strace $0x90000046  }
0xbf: {  	s29 =	simm.s32 $0x9;
	_ =	strace $0x80000048  }
0xc0: {  	_ =	swait.ge [sflag:s29], $0x1  }
0xc1: {  	[sflag:s29] =	ssyncadd.s32 $0xFFFFFFFF  }
0xc2: {  	_ =	strace $0x90000048  }
0xc3: {  	_ =	sfence  }
0xc4: {  	s30 =	sld [smem:$0x0];
	_ =	sdelay $0x2  }
0xc5: {  	s31 =	sshll.u32 s1, $0xD;
	s1 =	sshrl.u32 s1, $0x2  }
0xc6: {  	s3 =	sand.u32 $0x4000, s31;
	s1 =	sadd.s32 s1, s30  }
0xc7: {  	s0 =	sor.u32 s3, s0;
	s1 =	sshll.u32 s1, $0x11  }
0xc8: {  	s0 =	sor.u32 s1, s0  }
0xc9: {  	s0 =	sadd.s32 $0x8F2B, s0  }
0xca: {  	[sflag:s0] =	ssyncadd.remote.s32 $0x1  }
0xcb: {  	_ =	sfence.sel $0xFFFF  }
0xcc: {  	[dreg:$0x0] =	wrdreg $0xFFFFFFFF;
	(pc) =	sbr.abs _section_cstart, $3  }
0xcd: {  	[dreg:$0x1] =	wrdreg $0xFFFFFFFF  }
0xce: {  	_ =	task.clear_ibuf [dreg:s11], $0x2FFFF;
	_ =	strace $0x9FFFFFFF  }
0xcf: {  	(tm) =	ssettm $0x7FFFFFFF  }
tec
execute0_lowered:
.L_overlay_start_1:
0x0: {  	(tag) =	ssettag $0x1  }
0x1: {  	s7 =	rddreg [dreg:$0x0]  }
0x2: {  	s8 =	rddreg [dreg:$0x1]  }
0x3: {  	s1 =	rddreg [dreg:$0x2]  }
0x4: {  	s2 =	rddreg [dreg:$0x3]  }
0x5: {  	s9 =	rddreg [dreg:$0x4]  }
0x6: {  	s10 =	rddreg [dreg:$0x5]  }
0x7: {  	s0 =	rddreg [dreg:$0x6];
	s4 =	simm.s32 $0x0;
	s5 =	srdreg.scid  }
0x8: {  	s3 =	stileid.u32;
	s16 =	simm.s32 $0x2F00;
	s17 =	simm.s32 $0x1E00  }
0x9: {  	s18 =	simm.s32 $0x280;
	s19 =	simm.s32 $0x4580;
	s20 =	simm.s32 $0xE80  }
0xa: {  	s21 =	simm.s32 $0x2080;
	s22 =	simm.s32 $0x6380;
	s23 =	simm.s32 $0x7200  }
0xb: {  	s24 =	simm.s32 $0x0;
	[smem:$0x7FF] =	sst s4;
	s6 =	sand.u32 $0x1, s5  }
0xc: {  	s30 =	sshll.u32 s3, $0x1;
	s5 =	sadd.s32 $0x2800, s9;
	_ =	strace $0x80000047  }
0xd: {  	s11 =	sor.u32 s6, s30;
	s13 =	ssub.s32 $0x2, s6;
	s6 =	sadd.s32 $0xB7C00, s9  }
0xe: {  	s12 =	smul.u32 $0x760, s11;
	s14 =	sshrl.u32 s13, $0x1;
	s31 =	sshll.u32 s11, $0x4  }
0xf: {  	s15 =	smul.u32 $0x2D0, s11;
	s13 =	ssub.s32 s13, s14;
	s7 =	sadd.s32 s7, s31  }
0x10: {  	s8 =	sadd.s32 s8, s31;
	s14 =	simm.s32 $0x100;
	s12 =	sadd.s32 s12, s9  }
0x11: {  	s9 =	sadd.s32 s10, s15;
	s11 =	smax.u32 s13, $0x1;
	s13 =	simm.s32 $0x80  }
0x12: {  	s15 =	simm.s32 $0x1;
	s10 =	sadd.s32 $0x16D000, s12;
	s12 =	simm.s32 $0x2  }
.LBB2_1:
0x13: {  	[tilespmem:s4], [sflag:$0x2] =	stream.linear.gather [hbm4b:s7+s4], $0x80, $0x38;
	[tilespmem:$0x8080] =	vst v63  }
0x14: {  	_ =	swait.ge [sflag:s12], $0x80  }
0x15: {  	[sflag:s12] =	ssyncset.done $0x0  }
0x16: {  	[sflag:s12] =	ssyncadd.s32 $0xFFFFFF80  }
0x17: {  	[tilespmem:s13], [sflag:$0x2] =	stream.linear.gather [hbm4b:s8+s4], $0x80, $0x38;
	[tilespmem:$0x8080] =	vst v63  }
0x18: {  	_ =	swait.ge [sflag:s12], $0x80  }
0x19: {  	[sflag:s12] =	ssyncset.done $0x0  }
0x1a: {  	[sflag:s12] =	ssyncadd.s32 $0xFFFFFF80  }
0x1b: {  	[tilespmem:s14], [sflag:$0x1] =	stream.indirect.gather [hbm4b:s1+s13], $0x1, s4, s13, $0xb8;
	[tilespmem:$0x8080] =	vst v63  }
0x1c: {  	_ =	swait.ge [sflag:s15], $0x80  }
0x1d: {  	[sflag:s15] =	ssyncset.done $0x0  }
0x1e: {  	[sflag:s15] =	ssyncadd.s32 $0xFFFFFF80  }
0x1f: {  	v0 =	vld [tilespmem:$0x0]  }
0x20: {  	v1 =	vld [tilespmem:$0x100]  }
0x21: {  	v2 =	vld [tilespmem:$0x80]  }
0x22: {  	v3 =	vld [tilespmem:$0x10]  }
0x23: {  	v4 =	vld [tilespmem:$0x110]  }
0x24: {  	v5 =	vld [tilespmem:$0x90]  }
0x25: {  	v7 =	vld [tilespmem:$0x20]  }
0x26: {  	v8 =	vld [tilespmem:$0x120]  }
0x27: {  	v26 =	vld [tilespmem:$0xA0]  }
0x28: {  	v11 =	vld [tilespmem:$0x30]  }
0x29: {  	v35 =	vld [tilespmem:$0x40]  }
0x2a: {  	v12 =	vld [tilespmem:$0x140]  }
0x2b: {  	v38 =	vld [tilespmem:$0x50]  }
0x2c: {  	v16 =	vld [tilespmem:$0x150]  }
0x2d: {  	v44 =	vld [tilespmem:$0x60]  }
0x2e: {  	v17 =	vld [tilespmem:$0x160]  }
0x2f: {  	v51 =	vld [tilespmem:$0x170]  }
0x30: {  	v13 =	vld [tilespmem:$0xC0];
	v1 =	vadd.s32 $0xFFFFFFFF, v1;
	vm0 =	vlt.s32 v0, $0x63  }
0x31: {  	v40 =	vld [tilespmem:$0xD0];
	v4 =	vadd.s32 $0xFFFFFFFF, v4;
	vm14 =	vlt.s32 v3, $0x63;
	vm4 =	vlt.s32 v7, $0x63  }
0x32: {  	v47 =	vld [tilespmem:$0xE0];
	v32 =	vadd.s32 $0xFFFFFFFF, v8;
	vm6 =	vlt.s32 v11, $0x63;
	vm8 =	vlt.s32 v35, $0x63  }
0x33: {  	v50 =	vld [tilespmem:$0x70];
	v12 =	vadd.s32 $0xFFFFFFFF, v12;
	vm10 =	vlt.s32 v38, $0x63;
	v43 =	vadd.s32 $0xFFFFFFFF, v16  }
0x34: {  	vm12 =	vlt.s32 v44, $0x63;
	v54 =	vadd.s32 $0xFFFFFFFF, v17;
	v59 =	vadd.s32 $0xFFFFFFFF, v51  }
0x35: {  	vm1 =	vlt.s32 v2, v1;
	v0 =	vnsel vm0, $0x63, v0;
	vm15 =	vlt.s32 v5, v4  }
0x36: {  	v3 =	vnsel vm14, $0x63, v3;
	v7 =	vnsel vm4, $0x63, v7;
	vm5 =	vlt.s32 v26, v32  }
0x37: {  	v11 =	vnsel vm6, $0x63, v11;
	vm9 =	vlt.s32 v13, v12;
	vm11 =	vlt.s32 v40, v43  }
0x38: {  	v52 =	vld [tilespmem:$0xF0];
	v55 =	vnsel vm12, $0x63, v44;
	vm13 =	vlt.s32 v47, v54;
	vm14 =	vlt.s32 v50, $0x63  }
0x39: {  	v1 =	vsel vm1, v2, v1;
	v2 =	vmul.u32 $0x1E000, v0;
	v4 =	vsel vm15, v5, v4  }
0x3a: {  	v9 =	vmul.u32 $0x1E000, v3;
	v0 =	vshll.u32 v0, $0xB;
	v3 =	vshll.u32 v3, $0xB  }
0x3b: {  	v33 =	vsel vm5, v26, v32;
	v34 =	vmul.u32 $0x1E000, v7;
	v7 =	vshll.u32 v7, $0xB  }
0x3c: {  	v14 =	vmul.u32 $0x1E000, v11;
	v11 =	vshll.u32 v11, $0xB;
	v12 =	vsel vm9, v13, v12  }
0x3d: {  	v29 =	vld [tilespmem:$0x130];
	v57 =	vsel vm13, v47, v54;
	v58 =	vmul.u32 $0x1E000, v55;
	vm15 =	vlt.s32 v52, v59  }
0x3e: {  	v6 =	vshll.u32 v1, $0x2;
	v27 =	vand.u32 $0x7F, v1;
	v10 =	vshll.u32 v4, $0x2  }
0x3f: {  	v31 =	vld [tilespmem:$0xB0];
	v0 =	vadd.s32 v0, v1;
	v30 =	vand.u32 $0x7F, v4;
	v3 =	vadd.s32 v3, v4  }
0x40: {  	v36 =	vshll.u32 v33, $0x2;
	v37 =	vand.u32 $0x7F, v33;
	v4 =	vadd.s32 v7, v33  }
0x41: {  	v45 =	vshll.u32 v12, $0x2;
	v60 =	vsel vm15, v52, v59;
	v6 =	vand.u32 $0xFFFFFE00, v6  }
0x42: {  	v28 =	vand.u32 $0xFFFFFE00, v10;
	v10 =	vadd.s32 $0xFFFFFFFF, v29;
	v8 =	vand.u32 $0xFFFFFE00, v36  }
0x43: {  	v46 =	vand.u32 $0xFFFFFE00, v45;
	v62 =	vshll.u32 v60, $0x2;
	v2 =	vadd.s32 v2, v6  }
0x44: {  	v1 =	vadd.s32 v9, v28;
	vm7 =	vlt.s32 v31, v10;
	v5 =	vadd.s32 v34, v8  }
0x45: {  	[tilespmem:$0x200] =	vst v0;
	v6 =	vnsel vm8, $0x63, v35;
	v8 =	vsel vm11, v40, v43;
	v2 =	vor.u32 v27, v2  }
0x46: {  	[tilespmem:$0x210] =	vst v3;
	v1 =	vor.u32 v30, v1;
	v9 =	vsel vm7, v31, v10;
	v5 =	vor.u32 v37, v5  }
0x47: {  	[tilespmem:$0x220] =	vst v4;
	v42 =	vmul.u32 $0x1E000, v6;
	v10 =	vnsel vm10, $0x63, v38;
	v49 =	vshll.u32 v8, $0x2  }
0x48: {  	v6 =	vshll.u32 v6, $0xB;
	v53 =	vand.u32 $0x7F, v8;
	v15 =	vshll.u32 v9, $0x2;
	[tilespmem:$0x180] =	vst v2  }
0x49: {  	v41 =	vand.u32 $0x7F, v9;
	v2 =	vadd.s32 v11, v9;
	v48 =	vmul.u32 $0x1E000, v10;
	[tilespmem:$0x190] =	vst v1  }
0x4a: {  	v1 =	vand.u32 $0x7F, v12;
	v13 =	vand.u32 $0xFFFFFE00, v49;
	[tilespmem:$0x1A0] =	vst v5;
	v0 =	vadd.s32 v42, v46  }
0x4b: {  	v56 =	vshll.u32 v10, $0xB;
	v39 =	vand.u32 $0xFFFFFE00, v15;
	[tilespmem:$0x230] =	vst v2;
	v0 =	vor.u32 v1, v0  }
0x4c: {  	v7 =	vadd.s32 v14, v39;
	v1 =	vadd.s32 v6, v12;
	v3 =	vadd.s32 v48, v13;
	[tilespmem:$0x1C0] =	vst v0  }
0x4d: {  	v2 =	vshll.u32 v57, $0x2;
	v7 =	vor.u32 v41, v7;
	v3 =	vor.u32 v53, v3;
	[tilespmem:$0x240] =	vst v1  }
0x4e: {  	v0 =	vand.u32 $0xFFFFFE00, v2;
	v2 =	vnsel vm14, $0x63, v50;
	v1 =	vadd.s32 v56, v8;
	[tilespmem:$0x1B0] =	vst v7  }
0x4f: {  	v63 =	vld [tilespmem:$0x180];
	v0 =	vadd.s32 v58, v0;
	[tilespmem:$0x1D0] =	vst v3;
	v3 =	vand.u32 $0x7F, v57;
	v61 =	vmul.u32 $0x1E000, v2  }
0x50: {  	[tilespmem:$0x250] =	vst v1;
	v1 =	vshll.u32 v55, $0xB;
	v0 =	vor.u32 v3, v0;
	v3 =	vand.u32 $0xFFFFFE00, v62  }
0x51: {  	[tilespmem:$0x1E0] =	vst v0;
	v0 =	vadd.s32 v1, v57;
	v1 =	vadd.s32 v61, v3;
	v3 =	vand.u32 $0x7F, v60  }
0x52: {  	s25 =	sand.u32 $0x1E000, s4;
	s26 =	sand.u32 $0x180, s4;
	[tilespmem:$0x260] =	vst v0;
	v0 =	vor.u32 v3, v1;
	v1 =	vshll.u32 v2, $0xB  }
0x53: {  	s26 =	sor.u32 s26, s25;
	[tilespmem:$0x1F0] =	vst v0;
	v0 =	vadd.s32 v1, v60  }
0x54: {  	s25 =	simm.s32 $0x2C0;
	[tilespmem:$0x270] =	vst v0;
	v0 =	vadd.s32 s26, v63  }
0x55: {  	[tilespmem:s25+$0xFFFFFFC0] =	vst v0  }
0x56: {  	v0 =	vld [tilespmem:$0x190];
	_ =	sdelay $0x4  }
0x57: {  	v0 =	vadd.s32 s26, v0  }
0x58: {  	[tilespmem:s25+$0xFFFFFFD0] =	vst v0  }
0x59: {  	v0 =	vld [tilespmem:$0x1A0];
	_ =	sdelay $0x4  }
0x5a: {  	v0 =	vadd.s32 s26, v0  }
0x5b: {  	[tilespmem:s25+$0xFFFFFFE0] =	vst v0  }
0x5c: {  	v0 =	vld [tilespmem:$0x1B0];
	_ =	sdelay $0x4  }
0x5d: {  	v0 =	vadd.s32 s26, v0  }
0x5e: {  	[tilespmem:s25+$0xFFFFFFF0] =	vst v0  }
0x5f: {  	v0 =	vld [tilespmem:$0x1C0];
	_ =	sdelay $0x4  }
0x60: {  	v0 =	vadd.s32 s26, v0  }
0x61: {  	[tilespmem:s25+$0x0] =	vst v0  }
0x62: {  	v0 =	vld [tilespmem:$0x1D0];
	_ =	sdelay $0x4  }
0x63: {  	v0 =	vadd.s32 s26, v0  }
0x64: {  	[tilespmem:s25+$0x10] =	vst v0  }
0x65: {  	v0 =	vld [tilespmem:$0x1E0];
	_ =	sdelay $0x4  }
0x66: {  	v0 =	vadd.s32 s26, v0  }
0x67: {  	[tilespmem:s25+$0x20] =	vst v0  }
0x68: {  	v0 =	vld [tilespmem:$0x1F0];
	_ =	sdelay $0x4  }
0x69: {  	v0 =	vadd.s32 s26, v0  }
0x6a: {  	[tilespmem:s25+$0x30] =	vst v0  }
0x6b: {  	s29 =	simm.s32 $0x1000;
	s28 =	simm.s32 $0x0;
	s26 =	simm.s32 $0x800;
	v0 =	vld [tilespmem:$0x180]  }
.LBB2_2:
0x6c: {  	p0 =	sne.s32 s29, $0x1D800  }
0x6d: {  	s28 =	sadd.s32 $0x80, s28  }
0x6e: {  	s30 =	sand.u32 $0x1E000, s26;
	s26 =	smov.u32 s29;
	s31 =	sand.u32 $0x180, s28  }
0x6f: {  	s30 =	sor.u32 s31, s30  }
0x70: {  	s25 =	sadd.s32 $0x80, s25;
	v0 =	vadd.s32 s30, v0  }
0x71: {  	[tilespmem:s25+$0xFFFFFFC0] =	vst v0  }
0x72: {  	v0 =	vld [tilespmem:$0x190];
	_ =	sdelay $0x4  }
0x73: {  	v0 =	vadd.s32 s30, v0  }
0x74: {  	[tilespmem:s25+$0xFFFFFFD0] =	vst v0  }
0x75: {  	v0 =	vld [tilespmem:$0x1A0];
	_ =	sdelay $0x4  }
0x76: {  	v0 =	vadd.s32 s30, v0  }
0x77: {  	[tilespmem:s25+$0xFFFFFFE0] =	vst v0  }
0x78: {  	v0 =	vld [tilespmem:$0x1B0];
	_ =	sdelay $0x4  }
0x79: {  	v0 =	vadd.s32 s30, v0  }
0x7a: {  	[tilespmem:s25+$0xFFFFFFF0] =	vst v0  }
0x7b: {  	v0 =	vld [tilespmem:$0x1C0];
	_ =	sdelay $0x4  }
0x7c: {  	v0 =	vadd.s32 s30, v0  }
0x7d: {  	[tilespmem:s25+$0x0] =	vst v0  }
0x7e: {  	v0 =	vld [tilespmem:$0x1D0];
	_ =	sdelay $0x4  }
0x7f: {  	v0 =	vadd.s32 s30, v0  }
0x80: {  	[tilespmem:s25+$0x10] =	vst v0  }
0x81: {  	v0 =	vld [tilespmem:$0x1E0];
	_ =	sdelay $0x4  }
0x82: {  	v0 =	vadd.s32 s30, v0  }
0x83: {  	[tilespmem:s25+$0x20] =	vst v0  }
0x84: {  	v0 =	vld [tilespmem:$0x1F0];
	_ =	sdelay $0x2  }
.Ltmp0:
0x85: {  	(pc) =	sbr.rel @p0 .LBB2_2-.Ltmp0, $4  }
0x86: {  	_ = 	snop  }
0x87: {  	v0 =	vadd.s32 s30, v0  }
0x88: {  	[tilespmem:s25+$0x30] =	vst v0  }
0x89: {  	s29 =	sadd.s32 $0x800, s29;
	v0 =	vld [tilespmem:$0x180]  }
0x8a: {  	_ = 	snop  }
0x8b: {  	s28 =	sadd.s32 $0x80, s28  }
0x8c: {  	s26 =	sand.u32 $0x1E000, s26;
	s28 =	sand.u32 $0x180, s28  }
0x8d: {  	s26 =	sor.u32 s28, s26  }
0x8e: {  	s25 =	sadd.s32 $0x80, s25;
	v0 =	vadd.s32 s26, v0  }
0x8f: {  	[tilespmem:s25+$0xFFFFFFC0] =	vst v0  }
0x90: {  	v0 =	vld [tilespmem:$0x190];
	_ =	sdelay $0x4  }
0x91: {  	v0 =	vadd.s32 s26, v0  }
0x92: {  	[tilespmem:s25+$0xFFFFFFD0] =	vst v0  }
0x93: {  	v0 =	vld [tilespmem:$0x1A0];
	_ =	sdelay $0x4  }
0x94: {  	v0 =	vadd.s32 s26, v0  }
0x95: {  	[tilespmem:s25+$0xFFFFFFE0] =	vst v0  }
0x96: {  	v0 =	vld [tilespmem:$0x1B0];
	_ =	sdelay $0x4  }
0x97: {  	v0 =	vadd.s32 s26, v0  }
0x98: {  	[tilespmem:s25+$0xFFFFFFF0] =	vst v0  }
0x99: {  	v0 =	vld [tilespmem:$0x1C0];
	_ =	sdelay $0x4  }
0x9a: {  	v0 =	vadd.s32 s26, v0  }
0x9b: {  	[tilespmem:s25+$0x0] =	vst v0  }
0x9c: {  	v0 =	vld [tilespmem:$0x1D0];
	_ =	sdelay $0x4  }
0x9d: {  	v0 =	vadd.s32 s26, v0  }
0x9e: {  	[tilespmem:s25+$0x10] =	vst v0  }
0x9f: {  	v0 =	vld [tilespmem:$0x1E0];
	_ =	sdelay $0x4  }
0xa0: {  	v0 =	vadd.s32 s26, v0  }
0xa1: {  	[tilespmem:s25+$0x20] =	vst v0  }
0xa2: {  	v0 =	vld [tilespmem:$0x1F0];
	_ =	sdelay $0x4  }
0xa3: {  	v0 =	vadd.s32 s26, v0  }
0xa4: {  	[tilespmem:s25+$0x30] =	vst v0  }
0xa5: {  	v0 =	vld [tilespmem:$0x200];
	_ =	sdelay $0x3  }
0xa6: {  	s26 =	simm.s32 $0x0  }
0xa7: {  	s28 =	simm.s32 $0x20C0;
	v0 =	vadd.s32 s26, v0  }
0xa8: {  	[tilespmem:s28+$0xFFFFFFC0] =	vst v0  }
0xa9: {  	v0 =	vld [tilespmem:$0x210];
	_ =	sdelay $0x4  }
0xaa: {  	v0 =	vadd.s32 s26, v0  }
0xab: {  	[tilespmem:s28+$0xFFFFFFD0] =	vst v0  }
0xac: {  	v0 =	vld [tilespmem:$0x220];
	_ =	sdelay $0x4  }
0xad: {  	v0 =	vadd.s32 s26, v0  }
0xae: {  	[tilespmem:s28+$0xFFFFFFE0] =	vst v0  }
0xaf: {  	v0 =	vld [tilespmem:$0x230];
	_ =	sdelay $0x4  }
0xb0: {  	v0 =	vadd.s32 s26, v0  }
0xb1: {  	[tilespmem:s28+$0xFFFFFFF0] =	vst v0  }
0xb2: {  	v0 =	vld [tilespmem:$0x240];
	_ =	sdelay $0x4  }
0xb3: {  	v0 =	vadd.s32 s26, v0  }
0xb4: {  	[tilespmem:s28+$0x0] =	vst v0  }
0xb5: {  	v0 =	vld [tilespmem:$0x250];
	_ =	sdelay $0x4  }
0xb6: {  	v0 =	vadd.s32 s26, v0  }
0xb7: {  	[tilespmem:s28+$0x10] =	vst v0  }
0xb8: {  	v0 =	vld [tilespmem:$0x260];
	_ =	sdelay $0x4  }
0xb9: {  	v0 =	vadd.s32 s26, v0  }
0xba: {  	[tilespmem:s28+$0x20] =	vst v0  }
0xbb: {  	v0 =	vld [tilespmem:$0x270];
	_ =	sdelay $0x4  }
0xbc: {  	v0 =	vadd.s32 s26, v0  }
0xbd: {  	[tilespmem:s28+$0x30] =	vst v0  }
0xbe: {  	s30 =	simm.s32 $0x64000;
	s29 =	simm.s32 $0x32000;
	s25 =	simm.s32 $0x32000;
	v0 =	vld [tilespmem:$0x200]  }
.LBB2_4:
0xbf: {  	p0 =	sne.s32 s30, $0x578000;
	_ =	sdelay $0x3  }
0xc0: {  	s28 =	sadd.s32 $0x80, s28;
	v0 =	vadd.s32 s29, v0  }
0xc1: {  	[tilespmem:s28+$0xFFFFFFC0] =	vst v0  }
0xc2: {  	v0 =	vld [tilespmem:$0x210];
	_ =	sdelay $0x4  }
0xc3: {  	v0 =	vadd.s32 s29, v0  }
0xc4: {  	[tilespmem:s28+$0xFFFFFFD0] =	vst v0  }
0xc5: {  	v0 =	vld [tilespmem:$0x220];
	_ =	sdelay $0x4  }
0xc6: {  	v0 =	vadd.s32 s29, v0  }
0xc7: {  	[tilespmem:s28+$0xFFFFFFE0] =	vst v0  }
0xc8: {  	v0 =	vld [tilespmem:$0x230];
	_ =	sdelay $0x4  }
0xc9: {  	v0 =	vadd.s32 s29, v0  }
0xca: {  	[tilespmem:s28+$0xFFFFFFF0] =	vst v0  }
0xcb: {  	v0 =	vld [tilespmem:$0x240];
	_ =	sdelay $0x4  }
0xcc: {  	v0 =	vadd.s32 s29, v0  }
0xcd: {  	[tilespmem:s28+$0x0] =	vst v0  }
0xce: {  	v0 =	vld [tilespmem:$0x250];
	_ =	sdelay $0x4  }
0xcf: {  	v0 =	vadd.s32 s29, v0  }
0xd0: {  	[tilespmem:s28+$0x10] =	vst v0  }
0xd1: {  	v0 =	vld [tilespmem:$0x260];
	_ =	sdelay $0x4  }
0xd2: {  	v0 =	vadd.s32 s29, v0  }
0xd3: {  	[tilespmem:s28+$0x20] =	vst v0  }
0xd4: {  	v0 =	vld [tilespmem:$0x270];
	_ =	sdelay $0x2  }
.Ltmp1:
0xd5: {  	(pc) =	sbr.rel @p0 .LBB2_4-.Ltmp1, $4  }
0xd6: {  	_ = 	snop  }
0xd7: {  	v0 =	vadd.s32 s29, v0;
	s29 =	smov.u32 s30  }
0xd8: {  	[tilespmem:s28+$0x30] =	vst v0  }
0xd9: {  	s30 =	sadd.s32 $0x32000, s30;
	v0 =	vld [tilespmem:$0x200]  }
0xda: {  	_ =	sdelay $0x3  }
0xdb: {  	s28 =	sadd.s32 $0x80, s28;
	v0 =	vadd.s32 s29, v0  }
0xdc: {  	[tilespmem:s28+$0xFFFFFFC0] =	vst v0  }
0xdd: {  	v0 =	vld [tilespmem:$0x210];
	_ =	sdelay $0x4  }
0xde: {  	v0 =	vadd.s32 s29, v0  }
0xdf: {  	[tilespmem:s28+$0xFFFFFFD0] =	vst v0  }
0xe0: {  	v0 =	vld [tilespmem:$0x220];
	_ =	sdelay $0x4  }
0xe1: {  	v0 =	vadd.s32 s29, v0  }
0xe2: {  	[tilespmem:s28+$0xFFFFFFE0] =	vst v0  }
0xe3: {  	v0 =	vld [tilespmem:$0x230];
	_ =	sdelay $0x4  }
0xe4: {  	v0 =	vadd.s32 s29, v0  }
0xe5: {  	[tilespmem:s28+$0xFFFFFFF0] =	vst v0  }
0xe6: {  	v0 =	vld [tilespmem:$0x240];
	_ =	sdelay $0x4  }
0xe7: {  	v0 =	vadd.s32 s29, v0  }
0xe8: {  	[tilespmem:s28+$0x0] =	vst v0  }
0xe9: {  	v0 =	vld [tilespmem:$0x250];
	_ =	sdelay $0x4  }
0xea: {  	v0 =	vadd.s32 s29, v0  }
0xeb: {  	[tilespmem:s28+$0x10] =	vst v0  }
0xec: {  	v0 =	vld [tilespmem:$0x260];
	_ =	sdelay $0x4  }
0xed: {  	v0 =	vadd.s32 s29, v0  }
0xee: {  	[tilespmem:s28+$0x20] =	vst v0  }
0xef: {  	v0 =	vld [tilespmem:$0x270];
	_ =	sdelay $0x4  }
0xf0: {  	v0 =	vadd.s32 s29, v0  }
0xf1: {  	[tilespmem:s28+$0x30] =	vst v0  }
0xf2: {  	v0 =	vld [tilespmem:$0x200];
	_ =	sdelay $0x4  }
0xf3: {  	s28 =	simm.s32 $0x2F40;
	v0 =	vadd.s32 s26, v0  }
0xf4: {  	[tilespmem:s28+$0xFFFFFFC0] =	vst v0  }
0xf5: {  	v0 =	vld [tilespmem:$0x210];
	_ =	sdelay $0x4  }
0xf6: {  	v0 =	vadd.s32 s26, v0  }
0xf7: {  	[tilespmem:s28+$0xFFFFFFD0] =	vst v0  }
0xf8: {  	v0 =	vld [tilespmem:$0x220];
	_ =	sdelay $0x4  }
0xf9: {  	v0 =	vadd.s32 s26, v0  }
0xfa: {  	[tilespmem:s28+$0xFFFFFFE0] =	vst v0  }
0xfb: {  	v0 =	vld [tilespmem:$0x230];
	_ =	sdelay $0x4  }
0xfc: {  	v0 =	vadd.s32 s26, v0  }
0xfd: {  	[tilespmem:s28+$0xFFFFFFF0] =	vst v0  }
0xfe: {  	v0 =	vld [tilespmem:$0x240];
	_ =	sdelay $0x4  }
0xff: {  	v0 =	vadd.s32 s26, v0  }
0x100: {  	[tilespmem:s28+$0x0] =	vst v0  }
0x101: {  	v0 =	vld [tilespmem:$0x250];
	_ =	sdelay $0x4  }
0x102: {  	v0 =	vadd.s32 s26, v0  }
0x103: {  	[tilespmem:s28+$0x10] =	vst v0  }
0x104: {  	v0 =	vld [tilespmem:$0x260];
	_ =	sdelay $0x4  }
0x105: {  	v0 =	vadd.s32 s26, v0  }
0x106: {  	[tilespmem:s28+$0x20] =	vst v0  }
0x107: {  	v0 =	vld [tilespmem:$0x270];
	_ =	sdelay $0x4  }
0x108: {  	v0 =	vadd.s32 s26, v0  }
0x109: {  	[tilespmem:s28+$0x30] =	vst v0  }
0x10a: {  	s26 =	simm.s32 $0x64000;
	v0 =	vld [tilespmem:$0x200]  }
.LBB2_6:
0x10b: {  	p0 =	sne.s32 s26, $0x898000;
	_ =	sdelay $0x3  }
0x10c: {  	s28 =	sadd.s32 $0x80, s28;
	v0 =	vadd.s32 s25, v0  }
0x10d: {  	[tilespmem:s28+$0xFFFFFFC0] =	vst v0  }
0x10e: {  	v0 =	vld [tilespmem:$0x210];
	_ =	sdelay $0x4  }
0x10f: {  	v0 =	vadd.s32 s25, v0  }
0x110: {  	[tilespmem:s28+$0xFFFFFFD0] =	vst v0  }
0x111: {  	v0 =	vld [tilespmem:$0x220];
	_ =	sdelay $0x4  }
0x112: {  	v0 =	vadd.s32 s25, v0  }
0x113: {  	[tilespmem:s28+$0xFFFFFFE0] =	vst v0  }
0x114: {  	v0 =	vld [tilespmem:$0x230];
	_ =	sdelay $0x4  }
0x115: {  	v0 =	vadd.s32 s25, v0  }
0x116: {  	[tilespmem:s28+$0xFFFFFFF0] =	vst v0  }
0x117: {  	v0 =	vld [tilespmem:$0x240];
	_ =	sdelay $0x4  }
0x118: {  	v0 =	vadd.s32 s25, v0  }
0x119: {  	[tilespmem:s28+$0x0] =	vst v0  }
0x11a: {  	v0 =	vld [tilespmem:$0x250];
	_ =	sdelay $0x4  }
0x11b: {  	v0 =	vadd.s32 s25, v0  }
0x11c: {  	[tilespmem:s28+$0x10] =	vst v0  }
0x11d: {  	v0 =	vld [tilespmem:$0x260];
	_ =	sdelay $0x4  }
0x11e: {  	v0 =	vadd.s32 s25, v0  }
0x11f: {  	[tilespmem:s28+$0x20] =	vst v0  }
0x120: {  	v0 =	vld [tilespmem:$0x270];
	_ =	sdelay $0x2  }
.Ltmp2:
0x121: {  	(pc) =	sbr.rel @p0 .LBB2_6-.Ltmp2, $4  }
0x122: {  	_ = 	snop  }
0x123: {  	v0 =	vadd.s32 s25, v0;
	s25 =	smov.u32 s26  }
0x124: {  	[tilespmem:s28+$0x30] =	vst v0  }
0x125: {  	s26 =	sadd.s32 $0x32000, s26;
	v0 =	vld [tilespmem:$0x200]  }
0x126: {  	_ =	sdelay $0x3  }
0x127: {  	s26 =	sadd.s32 $0x80, s28;
	v0 =	vadd.s32 s25, v0  }
0x128: {  	[tilespmem:s26+$0xFFFFFFC0] =	vst v0  }
0x129: {  	v0 =	vld [tilespmem:$0x210];
	_ =	sdelay $0x4  }
0x12a: {  	v0 =	vadd.s32 s25, v0  }
0x12b: {  	[tilespmem:s26+$0xFFFFFFD0] =	vst v0  }
0x12c: {  	v0 =	vld [tilespmem:$0x220];
	_ =	sdelay $0x4  }
0x12d: {  	v0 =	vadd.s32 s25, v0  }
0x12e: {  	[tilespmem:s26+$0xFFFFFFE0] =	vst v0  }
0x12f: {  	v0 =	vld [tilespmem:$0x230];
	_ =	sdelay $0x4  }
0x130: {  	v0 =	vadd.s32 s25, v0  }
0x131: {  	[tilespmem:s26+$0xFFFFFFF0] =	vst v0  }
0x132: {  	v0 =	vld [tilespmem:$0x240];
	_ =	sdelay $0x4  }
0x133: {  	v0 =	vadd.s32 s25, v0  }
0x134: {  	[tilespmem:s26+$0x0] =	vst v0  }
0x135: {  	v0 =	vld [tilespmem:$0x250];
	_ =	sdelay $0x4  }
0x136: {  	v0 =	vadd.s32 s25, v0  }
0x137: {  	[tilespmem:s26+$0x10] =	vst v0  }
0x138: {  	v0 =	vld [tilespmem:$0x260];
	_ =	sdelay $0x4  }
0x139: {  	v0 =	vadd.s32 s25, v0  }
0x13a: {  	[tilespmem:s26+$0x20] =	vst v0  }
0x13b: {  	v0 =	vld [tilespmem:$0x270];
	_ =	sdelay $0x4  }
0x13c: {  	v0 =	vadd.s32 s25, v0  }
0x13d: {  	[tilespmem:s26+$0x30] =	vst v0  }
0x13e: {  	[hbm4b:s9+s4] =	stream.linear.scatter [tilespmem:s16], [sflag:$0x2], $0x1680, $0x38;
	[tilespmem:$0x8080] =	vst v63  }
0x13f: {  	_ =	swait.ge [sflag:s12], $0x1680  }
0x140: {  	[sflag:s12] =	ssyncset.done $0x0  }
0x141: {  	[sflag:s12] =	ssyncadd.s32 $0xFFFFE980  }
0x142: {  	[tilespmem:s19], [sflag:$0x1] =	stream.indirect.gather [hbm4b:s2+s17], $0x1, s18, s17, $0xb8;
	[tilespmem:$0x8080] =	vst v63  }
0x143: {  	_ = 	snop  }
0x144: {  	[tilespmem:s22], [sflag:$0x1] =	stream.indirect.gather [hbm4b:s5+s20], $0x1, s21, s20, $0xb8;
	[tilespmem:$0x8080] =	vst v63  }
0x145: {  	_ = 	snop  }
0x146: {  	[tilespmem:s23], [sflag:$0x1] =	stream.indirect.gather [hbm4b:s6+s20], $0x1, s21, s20, $0xb8;
	[tilespmem:$0x8080] =	vst v63  }
0x147: {  	_ =	swait.ge [sflag:s15], $0x1E00  }
0x148: {  	[sflag:s15] =	ssyncset.done $0x0  }
0x149: {  	[sflag:s15] =	ssyncadd.s32 $0xFFFFE200  }
0x14a: {  	_ =	swait.ge [sflag:s15], $0xE80  }
0x14b: {  	[sflag:s15] =	ssyncset.done $0x0  }
0x14c: {  	[sflag:s15] =	ssyncadd.s32 $0xFFFFF180  }
0x14d: {  	s24 =	sadd.s32 $0x1, s24;
	_ =	swait.ge [sflag:s15], $0xE80  }
0x14e: {  	p0 =	sne.s32 s24, s11;
	[sflag:s15] =	ssyncset.done $0x0  }
.Ltmp3:
0x14f: {  	[sflag:s15] =	ssyncadd.s32 $0xFFFFF180;
	(pc) =	sbr.rel @p0 .LBB2_1-.Ltmp3, $4  }
0x150: {  	[hbm4b:s10+s4] =	stream.linear.scatter [tilespmem:s19], [sflag:$0x2], $0x3B00, $0x38;
	[tilespmem:$0x8080] =	vst v63  }
0x151: {  	_ =	swait.ge [sflag:s12], $0x3B00  }
0x152: {  	[sflag:s12] =	ssyncset.done $0x0  }
0x153: {  	[sflag:s12] =	ssyncadd.s32 $0xFFFFC500  }
0x154: {  	_ =	sfence.sel $0x180000  }
0x155: {  	[bflag:$0x0] =	sbarrier.arrive $0xFFFF  }
0x156: {  	p0 =	sne.s32 s3, $0x0;
	_ =	strace $0x90000047  }
0x157: {  	s0 =	sadd.s32 @!p0 $0x100000, s0;
	[bflag:$0x2] =	sbarrier.arrive $0xFFFF  }
0x158: {  	[sflag:s0] =	ssyncadd.tile.s32 @!p0 $0x1;
	_ =	shalt  }
.Lfunc_end2:
_tile_overlayer_lowered:
.L_overlay_start_2:
0x159: {  	(tag) =	ssettag $0x2  }
0x15a: {  	s0 =	rddreg [dreg:$0x0];
	s2 =	stileid.u32  }
0x15b: {  	s1 =	rddreg [dreg:$0x1];
	p0 =	sne.s32 s2, $0x0  }
0x15c: {  	s3 =	rddreg [dreg:$0x2];
	[bflag:$0x3] =	sbarrier.arrive $0xFFFF;
	s2 =	simm.s32 @!p0 $0x1C02  }
0x15d: {  	[timem:s3], [sflag:s2] =	dma.local @!p0 [hbm:s0], s1  }
0x15e: {  	s0 =	simm.s32 @!p0 $0x2  }
0x15f: {  	_ =	swait.ge @!p0 [sflag:s0], s1  }
0x160: {  	s1 =	ssub.s32 @!p0 $0x0, s1;
	[sflag:s0] =	ssyncset.done @!p0 $0x0  }
0x161: {  	[sflag:s0] =	ssyncadd.s32 @!p0 s1  }
0x162: {  	[bflag:$0x3] =	sbarrier.arrive $0xFFFF  }
0x163: {  	_ =	shalt  }

// kernel: kernel.8.cloned.1.call-start
scs
__scs_entry_jumppad:
0x0: {  	(pc) =	sbr.rel $0x88, $3  }
0x1: {  	(tag) =	ssettag $0x0;
	lr =	simm.s32 $0x1  }
0x2: {  	[smem:$0x3F8F] =	sst lr;
	_ =	strace $0xD0000000  }
0x3: {  	_ = 	snop  }
0x4: {  	_ = 	snop  }
0x5: {  	_ = 	snop  }
0x6: {  	_ = 	snop  }
0x7: {  	_ = 	snop  }
__scs_overlays_trampoline_lowered:
0x8: {  	[smem:$0x3F9E] =	sst s0  }
0x9: {  	[smem:$0x3F9F] =	sst s1  }
0xa: {  	[smem:$0x3FA0] =	sst s2  }
0xb: {  	[smem:$0x3FA1] =	sst s3  }
0xc: {  	[smem:$0x3FA2] =	sst s4  }
0xd: {  	[smem:$0x3FA3] =	sst s5  }
0xe: {  	[smem:$0x3FA4] =	sst s6  }
0xf: {  	[smem:$0x3FA5] =	sst s7  }
0x10: {  	[smem:$0x3FA6] =	sst s8  }
0x11: {  	[smem:$0x3FA7] =	sst s9;
	s0 =	simm.s32 @!p0 $0x0  }
0x12: {  	s1 =	sld [smem:$0x3F8D];
	s0 =	simm.s32 @p0 $0x1  }
0x13: {  	[smem:$0x3FA8] =	sst s0;
	s0 =	simm.s32 @!p1 $0x0  }
0x14: {  	s2 =	sld [smem:$0x3F8C];
	s0 =	simm.s32 @p1 $0x1  }
0x15: {  	[smem:$0x3FA9] =	sst s0;
	s0 =	simm.s32 @!p2 $0x0  }
0x16: {  	s3 =	sld [smem:$0x3FDB];
	s0 =	simm.s32 @p2 $0x1  }
0x17: {  	s4 =	simm.s32 $0x1BF5;
	[smem:$0x3FAB] =	sst s0  }
0x18: {  	s0 =	sld [smem:$0x3F8E];
	_ =	swait.ge [sflag:s4], $0x0  }
0x19: {  	s7 =	sld [smem:$0x3F8F]  }
0x1a: {  	s8 =	sadd.s32 $0xFFFFE003, lr  }
0x1b: {  	s9 =	sadd.s32 $0xFFFFFEF7, lr;
	s5 =	simm.s32 $0xFFFFFFFF;
	p2 =	slt.u32 s8, $0xFFFFF086  }
0x1c: {  	p1 =	slt.u32 s9, $0xF7A;
	s5 =	simm.s32 @!p2 $0x0  }
0x1d: {  	s5 =	simm.s32 @p1 $0x1;
	p0 =	seq.s32 s7, s2  }
0x1e: {  	s7 =	smul.u32 @!p0 $0xF7A, s2;
	p2 =	seq.s32 @!p0 s5, $0x0  }
0x1f: {  	s9 =	smul.u32 $0xF7A, s1;
	s8 =	simm.s32 @!p0 $0x1BF5;
	p2 =	por !p2, p0  }
0x20: {  	[sflag:s8] =	ssyncset.s32 @!p0 $0xFFFFF086;
	s6 =	sadd.s32 @!p0 s3, s7;
	s7 =	simm.s32 @!p0 $0x108  }
0x21: {  	s3 =	sadd.s32 s3, s9;
	s6 =	sadd.s32 @!p0 $0x88, s6;
	s7 =	simm.s32 @p2 $0x1082  }
0x22: {  	[simem:s7], [sflag:s8] =	dma.local @!p0 [hbm:s6], $0xF7A  }
0x23: {  	s9 =	sor.u32 $0xD0000000, s2;
	s6 =	simm.s32 $0x108;
	_ =	swait.ge @!p0 [sflag:s8], $0x0  }
0x24: {  	s3 =	sadd.s32 $0x88, s3;
	s6 =	simm.s32 @!p1 $0x1082;
	[sflag:s4] =	ssyncset.s32 $0xFFFFF086  }
0x25: {  	[simem:s6], [sflag:s4] =	dma.local [hbm:s3], $0xF7A  }
0x26: {  	[smem:$0x3F8F] =	sst s1;
	(tag) =	ssettag s2;
	_ =	strace s9  }
0x27: {  	s1 =	sld [smem:$0x3F9F]  }
0x28: {  	s2 =	sld [smem:$0x3FA0]  }
0x29: {  	s4 =	sld [smem:$0x3FA2]  }
0x2a: {  	p0 =	seq.s32 s5, $0x0;
	s5 =	sld [smem:$0x3FA3]  }
0x2b: {  	s6 =	sld [smem:$0x3FA4]  }
0x2c: {  	s7 =	sld [smem:$0x3FA5]  }
0x2d: {  	s3 =	simm.s32 $0x108;
	s8 =	sld [smem:$0x3FA6]  }
0x2e: {  	s3 =	simm.s32 @!p0 $0x1082;
	s9 =	sld [smem:$0x3FA7]  }
0x2f: {  	lr =	sadd.s32 s0, s3;
	s0 =	sld [smem:$0x3F9E]  }
0x30: {  	s3 =	sld [smem:$0x3FA1]  }
0x31: {  	[smem:$0x3FAA] =	sst s10  }
0x32: {  	s10 =	sld [smem:$0x3FA8];
	_ =	sdelay $0x3  }
0x33: {  	p0 =	seq.s32 s10, $0x1;
	s10 =	sld [smem:$0x3FAA];
	_ =	sdelay $0x3  }
0x34: {  	[smem:$0x3FAA] =	sst s10  }
0x35: {  	s10 =	sld [smem:$0x3FA9];
	_ =	sdelay $0x3  }
0x36: {  	p1 =	seq.s32 s10, $0x1;
	s10 =	sld [smem:$0x3FAA];
	_ =	sdelay $0x3  }
0x37: {  	[smem:$0x3FAA] =	sst s10  }
0x38: {  	s10 =	sld [smem:$0x3FAB]  }
0x39: {  	_ = 	snop;
	(pc) =	sbr.ind lr, $3  }
0x3a: {  	_ = 	snop  }
0x3b: {  	_ = 	snop  }
0x3c: {  	p2 =	seq.s32 s10, $0x1;
	s10 =	sld [smem:$0x3FAA]  }
0x3d: {  	_ =	shalt  }
0x3e: {  	_ =	shalt  }
0x3f: {  	_ =	shalt  }
0x40: {  	_ =	shalt  }
0x41: {  	_ =	shalt  }
0x42: {  	_ =	shalt  }
0x43: {  	_ =	shalt  }
0x44: {  	_ =	shalt  }
0x45: {  	_ =	shalt  }
0x46: {  	_ =	shalt  }
0x47: {  	_ =	shalt  }
0x48: {  	_ =	shalt  }
0x49: {  	_ =	shalt  }
0x4a: {  	_ =	shalt  }
0x4b: {  	_ =	shalt  }
0x4c: {  	_ =	shalt  }
0x4d: {  	_ =	shalt  }
0x4e: {  	_ =	shalt  }
0x4f: {  	_ =	shalt  }
0x50: {  	_ =	shalt  }
0x51: {  	_ =	shalt  }
0x52: {  	_ =	shalt  }
0x53: {  	_ =	shalt  }
0x54: {  	_ =	shalt  }
0x55: {  	_ =	shalt  }
0x56: {  	_ =	shalt  }
0x57: {  	_ =	shalt  }
0x58: {  	_ =	shalt  }
0x59: {  	_ =	shalt  }
0x5a: {  	_ =	shalt  }
0x5b: {  	_ =	shalt  }
0x5c: {  	_ =	shalt  }
0x5d: {  	_ =	shalt  }
0x5e: {  	_ =	shalt  }
0x5f: {  	_ =	shalt  }
0x60: {  	_ =	shalt  }
0x61: {  	_ =	shalt  }
0x62: {  	_ =	shalt  }
0x63: {  	_ =	shalt  }
0x64: {  	_ =	shalt  }
0x65: {  	_ =	shalt  }
0x66: {  	_ =	shalt  }
0x67: {  	_ =	shalt  }
0x68: {  	_ =	shalt  }
0x69: {  	_ =	shalt  }
0x6a: {  	_ =	shalt  }
0x6b: {  	_ =	shalt  }
0x6c: {  	_ =	shalt  }
0x6d: {  	_ =	shalt  }
0x6e: {  	_ =	shalt  }
0x6f: {  	_ =	shalt  }
0x70: {  	_ =	shalt  }
0x71: {  	_ =	shalt  }
0x72: {  	_ =	shalt  }
0x73: {  	_ =	shalt  }
0x74: {  	_ =	shalt  }
0x75: {  	_ =	shalt  }
0x76: {  	_ =	shalt  }
0x77: {  	_ =	shalt  }
0x78: {  	_ =	shalt  }
0x79: {  	_ =	shalt  }
0x7a: {  	_ =	shalt  }
0x7b: {  	_ =	shalt  }
0x7c: {  	_ =	shalt  }
0x7d: {  	_ =	shalt  }
0x7e: {  	_ =	shalt  }
0x7f: {  	_ =	shalt  }
0x80: {  	_ =	shalt  }
0x81: {  	_ =	shalt  }
0x82: {  	_ =	shalt  }
0x83: {  	_ =	shalt  }
0x84: {  	_ =	shalt  }
0x85: {  	_ =	shalt  }
0x86: {  	_ =	shalt  }
0x87: {  	_ =	shalt  }
.Lfunc_end0:
.L_simem_size_0:
called_computation.1_lowered:
.L_overlay_start_0:
0x88: {  	s2 =	sld [smem:$0x3FD9]  }
0x89: {  	s3 =	sld [smem:$0x3FFE];
	_ =	sdelay $0x1  }
0x8a: {  	s1 =	srdreg.scid  }
0x8b: {  	s0 =	sand.u32 $0x1, s1  }
0x8c: {  	s14 =	sshll.u32 s0, $0xA;
	s2 =	sadd.s32 s3, s2  }
0x8d: {  	s2 =	sadd.s32 s2, s14  }
0x8e: {  	[smem:$0x3FB6] =	sst s2  }
0x8f: {  	_ = 	snop  }
0x90: {  	s2 =	sld [smem:$0x3FD0];
	_ =	sdelay $0x2  }
0x91: {  	s15 =	simm.s32 $0xA;
	s4 =	simm.s32 $0x10  }
0x92: {  	[smem:s4], [sflag:s15] =	dma.local [hbm:s2], $0x1  }
0x93: {  	_ =	swait.eq [sflag:s15], $0x1  }
0x94: {  	[sflag:s15] =	ssyncset.done $0x0  }
0x95: {  	[sflag:s15] =	ssyncadd.s32 $0xFFFFFFFF  }
0x96: {  	s16 =	sld [smem:$0x16];
	(tm) =	ssettm $0x1  }
0x97: {  	s17 =	sld [smem:$0x3FFB];
	_ =	sdelay $0x3  }
0x98: {  	_ =	strace s17  }
0x99: {  	s3 =	sld [smem:$0x3FFC];
	_ =	sdelay $0x3  }
0x9a: {  	_ =	strace s3  }
0x9b: {  	s3 =	sld [smem:$0x3FFD];
	_ =	sdelay $0x3  }
0x9c: {  	_ =	strace s3  }
0x9d: {  	_ =	strace $0x8FFFFFFF  }
0x9e: {  	s18 =	sld [smem:$0x3FDB];
	_ =	sdelay $0x1  }
0x9f: {  	s19 =	simm.s32 $_scs_section_size  }
0xa0: {  	s5 =	simm.s32 $_size__tile_overlayer_lowered;
	s6 =	simm.s32 $_tile_overlayer_lowered  }
0xa1: {  	s22 =	simm.s32 $0x1BFF;
	s21 =	sshll.u32 s6, $0x1;
	s3 =	sadd.s32 s19, s18  }
0xa2: {  	s7 =	simm.s32 $0x0;
	s20 =	sshll.u32 s5, $0x1;
	s5 =	sadd.s32 s21, s3  }
0xa3: {  	[timem:s7], [sflag:s22] =	dma.local [hbm:s5], s20  }
0xa4: {  	_ =	swait.ge [sflag:s22], s20  }
0xa5: {  	s4 =	ssub.s32 $0x0, s20;
	[sflag:s22] =	ssyncset.done $0x0  }
0xa6: {  	[sflag:s22] =	ssyncadd.s32 s4;
	_ =	sdelay $0x1  }
0xa7: {  	s23 =	simm.s32 $0x1B8B  }
0xa8: {  	_ =	swait.ge [sflag:s23], $0x1  }
0xa9: {  	[sflag:s23] =	ssyncset.done $0x0  }
0xaa: {  	s25 =	simm.s32 $0x1B8E;
	s24 =	sld [smem:$0x3FFE];
	[sflag:s23] =	ssyncadd.s32 $0xFFFFFFFF  }
0xab: {  	s26 =	simm.s32 $execute0_lowered;
	[smem:$0x3FD2] =	sst s25  }
0xac: {  	s5 =	sshll.u32 s26, $0x1;
	_ =	strace $0x80000049;
	[dreg:$0x1] =	wrdreg $0xFFFFFFFF  }
0xad: {  	s28 =	simm.s32 $_size_execute0_lowered;
	s3 =	sadd.s32 s3, s5;
	[dreg:$0x0] =	wrdreg $0x0  }
0xae: {  	s5 =	sshll.u32 s28, $0x1;
	[dreg:$0x2] =	wrdreg s3  }
0xaf: {  	[dreg:$0x3] =	wrdreg s5  }
0xb0: {  	[dreg:$0x4] =	wrdreg $0xC0  }
0xb1: {  	_ =	task [dreg:s7], $0x5FFFF  }
0xb2: {  	[dreg:$0x1] =	wrdreg $0xFFFFFFFF  }
0xb3: {  	[dreg:$0x0] =	wrdreg $0x60  }
0xb4: {  	[dreg:$0x2] =	wrdreg s16  }
0xb5: {  	[dreg:$0x3] =	wrdreg s24  }
0xb6: {  	[dreg:$0x4] =	wrdreg $0x9  }
0xb7: {  	_ =	task.clear_ibuf [dreg:s7], $0x5FFFF;
	_ =	strace $0x90000049  }
0xb8: {  	s29 =	simm.s32 $0x9;
	_ =	strace $0x8000004B  }
0xb9: {  	_ =	swait.ge [sflag:s29], $0x1  }
0xba: {  	[sflag:s29] =	ssyncadd.s32 $0xFFFFFFFF  }
0xbb: {  	_ =	strace $0x9000004B  }
0xbc: {  	_ =	sfence  }
0xbd: {  	s30 =	sld [smem:$0x0];
	_ =	sdelay $0x2  }
0xbe: {  	s31 =	sshll.u32 s1, $0xD;
	s1 =	sshrl.u32 s1, $0x2  }
0xbf: {  	s3 =	sand.u32 $0x4000, s31;
	s1 =	sadd.s32 s1, s30  }
0xc0: {  	s0 =	sor.u32 s3, s0;
	s1 =	sshll.u32 s1, $0x11  }
0xc1: {  	s0 =	sor.u32 s1, s0  }
0xc2: {  	s0 =	sadd.s32 $0x8F2B, s0  }
0xc3: {  	[sflag:s0] =	ssyncadd.remote.s32 $0x1  }
0xc4: {  	_ =	sfence.sel $0xFFFF  }
0xc5: {  	[dreg:$0x0] =	wrdreg $0xFFFFFFFF;
	(pc) =	sbr.abs _section_cstart, $3  }
0xc6: {  	[dreg:$0x1] =	wrdreg $0xFFFFFFFF  }
0xc7: {  	_ =	task.clear_ibuf [dreg:s7], $0x2FFFF;
	_ =	strace $0x9FFFFFFF  }
0xc8: {  	(tm) =	ssettm $0x7FFFFFFF  }
0xc9: {  	_ =	shalt  }
tec
execute0_lowered:
.L_overlay_start_1:
0x0: {  	(tag) =	ssettag $0x1  }
0x1: {  	s1 =	srdreg.scid;
	s0 =	stileid.u32  }
0x2: {  	s3 =	rddreg [dreg:$0x0];
	s12 =	sand.u32 $0x1, s1;
	s29 =	sshll.u32 s0, $0x1  }
0x3: {  	s13 =	rddreg [dreg:$0x1];
	s14 =	sor.u32 s12, s29  }
0x4: {  	s2 =	simm.s32 $0x0;
	s1 =	rddreg [dreg:$0x2];
	s4 =	smul.u32 $0x2D0, s14  }
0x5: {  	[smem:$0x7FF] =	sst s2  }
0x6: {  	_ =	strace $0x8000004A;
	s4 =	sadd.s32 s3, s4;
	s3 =	simm.s32 $0x2  }
0x7: {  	[tilespmem:s2], [sflag:$0x2] =	stream.linear.gather [hbm4b:s4+s2], $0x1680, $0x38;
	[tilespmem:$0x5A00] =	vst v63  }
0x8: {  	_ =	swait.ge [sflag:s3], $0x1680  }
0x9: {  	[sflag:s3] =	ssyncset.done $0x0  }
0xa: {  	s6 =	simm.s32 $0x1680;
	s5 =	sadd.s32 $0x17BC00, s13;
	[sflag:s3] =	ssyncadd.s32 $0xFFFFE980  }
0xb: {  	[tilespmem:s6], [sflag:$0x1] =	stream.indirect.gather [hbm4b:s5+s6], $0x1, s2, s6, $0xb8;
	[tilespmem:$0x5A00] =	vst v63  }
0xc: {  	s8 =	simm.s32 $0x2D00;
	s7 =	sadd.s32 $0x295000, s13  }
0xd: {  	[tilespmem:s8], [sflag:$0x1] =	stream.indirect.gather [hbm4b:s7+s6], $0x1, s2, s6, $0xb8;
	[tilespmem:$0x5A00] =	vst v63  }
0xe: {  	s10 =	simm.s32 $0x4380;
	s11 =	simm.s32 $0x1;
	s9 =	sadd.s32 $0x3AE400, s13  }
0xf: {  	[tilespmem:s10], [sflag:$0x1] =	stream.indirect.gather [hbm4b:s9+s6], $0x1, s2, s6, $0xb8;
	[tilespmem:$0x5A00] =	vst v63  }
0x10: {  	_ =	swait.ge [sflag:s11], $0x1680  }
0x11: {  	[sflag:s11] =	ssyncset.done $0x0  }
0x12: {  	s12 =	ssub.s32 $0x2, s12;
	[sflag:s11] =	ssyncadd.s32 $0xFFFFE980  }
0x13: {  	s15 =	sshrl.u32 s12, $0x1;
	_ =	swait.ge [sflag:s11], $0x1680  }
0x14: {  	s30 =	ssub.s32 s12, s15;
	[sflag:s11] =	ssyncset.done $0x0  }
0x15: {  	s14 =	smul.u32 $0x870, s14;
	s31 =	smax.u32 s30, $0x1;
	[sflag:s11] =	ssyncadd.s32 $0xFFFFE980  }
0x16: {  	p0 =	sne.s32 s31, $0x1;
	_ =	swait.ge [sflag:s11], $0x1680  }
.Ltmp0:
0x17: {  	s13 =	sadd.s32 s14, s13;
	[sflag:s11] =	ssyncset.done $0x0;
	(pc) =	sbr.rel @!p0 .LBB2_2-.Ltmp0, $4  }
0x18: {  	s12 =	sadd.s32 $0x2800, s13;
	[sflag:s11] =	ssyncadd.s32 $0xFFFFE980  }
0x19: {  	[hbm4b:s12+s2] =	stream.linear.scatter [tilespmem:s6], [sflag:$0x2], $0x4380, $0x38;
	[tilespmem:$0x5A00] =	vst v63  }
0x1a: {  	_ =	swait.ge [sflag:s3], $0x4380  }
0x1b: {  	s13 =	sadd.s32 $0xFFFFFFFF, s31;
	[sflag:s3] =	ssyncset.done $0x0  }
.LBB2_1:
0x1c: {  	p0 =	sne.s32 s13, $0x1;
	s13 =	sadd.s32 $0xFFFFFFFF, s13;
	[sflag:s3] =	ssyncadd.s32 $0xFFFFBC80  }
0x1d: {  	[tilespmem:s2], [sflag:$0x2] =	stream.linear.gather [hbm4b:s4+s2], $0x1680, $0x38;
	[tilespmem:$0x5A00] =	vst v63  }
0x1e: {  	_ =	swait.ge [sflag:s3], $0x1680  }
0x1f: {  	[sflag:s3] =	ssyncset.done $0x0  }
0x20: {  	[sflag:s3] =	ssyncadd.s32 $0xFFFFE980  }
0x21: {  	[tilespmem:s6], [sflag:$0x1] =	stream.indirect.gather [hbm4b:s5+s6], $0x1, s2, s6, $0xb8;
	[tilespmem:$0x5A00] =	vst v63  }
0x22: {  	_ = 	snop  }
0x23: {  	[tilespmem:s8], [sflag:$0x1] =	stream.indirect.gather [hbm4b:s7+s6], $0x1, s2, s6, $0xb8;
	[tilespmem:$0x5A00] =	vst v63  }
0x24: {  	_ = 	snop  }
0x25: {  	[tilespmem:s10], [sflag:$0x1] =	stream.indirect.gather [hbm4b:s9+s6], $0x1, s2, s6, $0xb8;
	[tilespmem:$0x5A00] =	vst v63  }
0x26: {  	_ =	swait.ge [sflag:s11], $0x1680  }
0x27: {  	[sflag:s11] =	ssyncset.done $0x0  }
0x28: {  	[sflag:s11] =	ssyncadd.s32 $0xFFFFE980  }
0x29: {  	_ =	swait.ge [sflag:s11], $0x1680  }
0x2a: {  	[sflag:s11] =	ssyncset.done $0x0  }
0x2b: {  	[sflag:s11] =	ssyncadd.s32 $0xFFFFE980  }
0x2c: {  	_ =	swait.ge [sflag:s11], $0x1680  }
.Ltmp1:
0x2d: {  	[sflag:s11] =	ssyncset.done $0x0;
	(pc) =	sbr.rel @p0 .LBB2_1-.Ltmp1, $4  }
0x2e: {  	[sflag:s11] =	ssyncadd.s32 $0xFFFFE980  }
0x2f: {  	[hbm4b:s12+s2] =	stream.linear.scatter [tilespmem:s6], [sflag:$0x2], $0x4380, $0x38;
	[tilespmem:$0x5A00] =	vst v63  }
0x30: {  	_ =	swait.ge [sflag:s3], $0x4380  }
0x31: {  	[sflag:s3] =	ssyncset.done $0x0  }
.LBB2_2:
0x32: {  	[sflag:s3] =	ssyncadd.s32 $0xFFFFBC80  }
0x33: {  	_ =	sfence.sel $0x180000  }
0x34: {  	[bflag:$0x0] =	sbarrier.arrive $0xFFFF  }
0x35: {  	p0 =	sne.s32 s0, $0x0;
	_ =	strace $0x9000004A  }
0x36: {  	s0 =	sadd.s32 @!p0 $0x100000, s1;
	[bflag:$0x2] =	sbarrier.arrive $0xFFFF  }
0x37: {  	[sflag:s0] =	ssyncadd.tile.s32 @!p0 $0x1;
	_ =	shalt  }
.Lfunc_end2:
_tile_overlayer_lowered:
.L_overlay_start_2:
0x38: {  	(tag) =	ssettag $0x2  }
0x39: {  	s0 =	rddreg [dreg:$0x0];
	s2 =	stileid.u32  }
0x3a: {  	s1 =	rddreg [dreg:$0x1];
	p0 =	sne.s32 s2, $0x0  }
0x3b: {  	s3 =	rddreg [dreg:$0x2];
	[bflag:$0x3] =	sbarrier.arrive $0xFFFF;
	s2 =	simm.s32 @!p0 $0x1C02  }
0x3c: {  	[timem:s3], [sflag:s2] =	dma.local @!p0 [hbm:s0], s1  }
0x3d: {  	s0 =	simm.s32 @!p0 $0x2  }
0x3e: {  	_ =	swait.ge @!p0 [sflag:s0], s1  }
0x3f: {  	s1 =	ssub.s32 @!p0 $0x0, s1;
	[sflag:s0] =	ssyncset.done @!p0 $0x0  }
0x40: {  	[sflag:s0] =	ssyncadd.s32 @!p0 s1  }
0x41: {  	[bflag:$0x3] =	sbarrier.arrive $0xFFFF  }
0x42: {  	_ =	shalt  }

</sc_bundles>
